<compile_context>
chip_gen: v7x
topology: tpu7x:2x2x1
jax: 0.10.2.dev20260603
libtpu: 0.0.44.dev20260713+nightly
codegen_flags: <defaults>
</compile_context>

<pallas_src>
import jax
import jax.numpy as jnp
from jax import lax
from jax.experimental import pallas as pl
from jax.experimental.pallas import tpu as pltpu
from jax.experimental.pallas import tpu_sc as plsc

_F = 26
_V = 100000
_D = 16
_B = 16384

_NC = 2
_NS = 16
_NW = _NC * _NS
_CH = 128
_JPW = _B // _NW // _CH
_BPW = _JPW * _CH
_NCH = _F * _JPW
_NBUF = 8
_AHEAD = 4
_NROUND = _NCH // _NBUF


def _body(idx_hbm, tab_hbm, out_hbm, idx_v, rows, gsem, osem):
    c = lax.axis_index("c")
    s = lax.axis_index("s")
    wid = s * _NC + c
    b0 = wid * _BPW

    pltpu.sync_copy(idx_hbm.at[:, pl.ds(wid * _JPW, _JPW)], idx_v)

    def gather(q, b):
        f = q // _JPW
        j = lax.rem(q, _JPW)
        return pltpu.make_async_copy(
            tab_hbm.at[idx_v.at[f, j]], rows.at[b], gsem[b])

    def ocopy(q, b):
        f = q // _JPW
        j = lax.rem(q, _JPW)
        return pltpu.make_async_copy(
            rows.at[b], out_hbm.at[pl.ds(b0 + j * _CH, _CH), f], osem[b])

    for p in range(_AHEAD):
        gather(p, p).start()

    def round_(r, carry):
        q0 = r * _NBUF
        for b in range(_NBUF):
            q = q0 + b
            p = q + _AHEAD
            bp = (b + _AHEAD) % _NBUF

            @pl.when((p >= _NBUF) & (p < _NCH))
            def _free_buf():
                ocopy(p - _NBUF, bp).wait()

            @pl.when(p < _NCH)
            def _start_next():
                gather(p, bp).start()

            gather(q, b).wait()
            ocopy(q, b).start()
        return carry

    lax.fori_loop(0, _NROUND, round_, 0)

    for b in range(_NBUF):
        ocopy(_NCH - _NBUF + b, b).wait()


@jax.jit
def kernel(indices, tables):
    flat_idx = indices.astype(jnp.int32).T + (
        jnp.arange(_F, dtype=jnp.int32) * _V
    )[:, None]
    flat_idx = flat_idx.reshape(_F, _B // _CH, _CH)
    tab_flat = tables.reshape(_F * _V, _D)

    mesh = plsc.VectorSubcoreMesh(
        core_axis_name="c", subcore_axis_name="s",
        num_cores=_NC, num_subcores=_NS,
    )
    return pl.kernel(
        _body,
        out_type=jax.ShapeDtypeStruct((_B, _F, _D), jnp.float32),
        mesh=mesh,
        scratch_types=[
            pltpu.VMEM((_F, _JPW, _CH), jnp.int32),
            pltpu.VMEM((_NBUF, _CH, _D), jnp.float32),
            [pltpu.SemaphoreType.DMA] * _NBUF,
            [pltpu.SemaphoreType.DMA] * _NBUF,
        ],
        compiler_params=pltpu.CompilerParams(use_tc_tiling_on_sc=False),
    )(flat_idx, tab_flat)

# --- scband reference (transcript-rebuilt; emitter-appended) ---
"""Pipeline reference for scband-feature-embedding-69441031241749 (READ-ONLY COPY).

The authoritative reference and input builder live on the scoring server;
editing this copy changes nothing except your own understanding.
"""

import jax, jax.numpy as jnp
import numpy as np

NUM_FIELDS = 26
VOCAB = 100000
EMB_DIM = 16
BATCH = 16384


def setup_inputs(seed: int = 0) -> dict:
    key = jax.random.key(seed)
    k_idx, k_tab = jax.random.split(key)
    indices = jax.random.randint(k_idx, (BATCH, NUM_FIELDS), 0, VOCAB, dtype=jnp.int64)
    # One embedding table per categorical field, initialized like
    # partial(nn.init.normal_, std=1e-4)
    tables = jax.random.normal(k_tab, (NUM_FIELDS, VOCAB, EMB_DIM), dtype=jnp.float32) * 1e-4
    return {"indices": indices, "tables": tables}


def reference(indices, tables):
    # FeatureEmbeddingDict.forward: per-feature embedding lookup, then
    # dict2tensor with flatten_emb=False -> stack along dim=1.
    # tables: [F, V, D]; indices: [B, F] -> out: [B, F, D]
    def lookup(table, idx_col):
        return jnp.take(table, idx_col, axis=0)  # [B, D]

    out = jax.vmap(lookup, in_axes=(0, 1), out_axes=1)(tables, indices)
    return out

if __name__ == "__main__":
    import jax
    _d = setup_inputs()
    print(jax.jit(kernel)(*tuple(_d.values())))

</pallas_src>

<mosaic_0001>
#map = affine_map<(d0, d1) -> (0, 0, 0)>
#map1 = affine_map<(d0, d1) -> (0, 0)>
module attributes {stable_mosaic.version = 14 : i64} {
  func.func @_body(%arg0: i32, %arg1: i32, %arg2: memref<26x128x128xi32, #tpu.memory_space<hbm>>, %arg3: memref<2600000x16xf32, #tpu.memory_space<hbm>>, %arg4: memref<16384x26x16xf32, #tpu.memory_space<hbm>>, %arg5: memref<26x4x128xi32, #tpu.memory_space<vmem>>, %arg6: memref<8x128x16xf32, #tpu.memory_space<vmem>>, %arg7: memref<!tpu.dma_semaphore, #tpu.memory_space<semaphore_mem>>, %arg8: memref<!tpu.dma_semaphore, #tpu.memory_space<semaphore_mem>>, %arg9: memref<!tpu.dma_semaphore, #tpu.memory_space<semaphore_mem>>, %arg10: memref<!tpu.dma_semaphore, #tpu.memory_space<semaphore_mem>>, %arg11: memref<!tpu.dma_semaphore, #tpu.memory_space<semaphore_mem>>, %arg12: memref<!tpu.dma_semaphore, #tpu.memory_space<semaphore_mem>>, %arg13: memref<!tpu.dma_semaphore, #tpu.memory_space<semaphore_mem>>, %arg14: memref<!tpu.dma_semaphore, #tpu.memory_space<semaphore_mem>>, %arg15: memref<!tpu.dma_semaphore, #tpu.memory_space<semaphore_mem>>, %arg16: memref<!tpu.dma_semaphore, #tpu.memory_space<semaphore_mem>>, %arg17: memref<!tpu.dma_semaphore, #tpu.memory_space<semaphore_mem>>, %arg18: memref<!tpu.dma_semaphore, #tpu.memory_space<semaphore_mem>>, %arg19: memref<!tpu.dma_semaphore, #tpu.memory_space<semaphore_mem>>, %arg20: memref<!tpu.dma_semaphore, #tpu.memory_space<semaphore_mem>>, %arg21: memref<!tpu.dma_semaphore, #tpu.memory_space<semaphore_mem>>, %arg22: memref<!tpu.dma_semaphore, #tpu.memory_space<semaphore_mem>>) attributes {dimension_semantics = [#tpu.dimension_semantics<core_parallel>, #tpu.dimension_semantics<subcore_parallel>], iteration_bounds = array<i64: 2, 16>, scalar_prefetch = 0 : i64, scratch_operands = 18 : i64, tpu.core_type = #tpu.core_type<sc_vector_subcore>, window_params = [{transform_indices = #map}, {transform_indices = #map1}, {transform_indices = #map}]} {
    %mul3A = arith.constant 2 : i32
    %mul3A_0 = arith.muli %arg1, %mul3A : i32
    %add3A = arith.addi %mul3A_0, %arg0 : i32
    %mul3A_1 = arith.constant 512 : i32
    %mul3A_2 = arith.muli %add3A, %mul3A_1 : i32
    %mul3A_3 = arith.constant 4 : i32
    %mul3A_4 = arith.muli %add3A, %mul3A_3 : i32
    "tpu.region"() ({
      %run_scoped3A = tpu.sem_alloc : memref<!tpu.dma_semaphore, #tpu.memory_space<semaphore_mem>>
      %dma_start3A_243 = arith.constant 0 : i32
      %dma_start3A_244 = arith.constant 0 : i32
      %dma_start3A_245 = tpu.memref_slice %arg2[%dma_start3A_243, %mul3A_4, %dma_start3A_244] : memref<26x128x128xi32, #tpu.memory_space<hbm>> -> memref<26x4x128xi32, #tpu.memory_space<hbm>>
      %dma_start3A_246 = arith.constant 0 : i32
      %dma_start3A_247 = arith.constant 0 : i32
      %dma_start3A_248 = tpu.memref_slice %arg2[%dma_start3A_246, %mul3A_4, %dma_start3A_247] : memref<26x128x128xi32, #tpu.memory_space<hbm>> -> memref<26x4x128xi32, #tpu.memory_space<hbm>>
      tpu.enqueue_dma source(%dma_start3A_248 : memref<26x4x128xi32, #tpu.memory_space<hbm>>) target(%arg5 : memref<26x4x128xi32, #tpu.memory_space<vmem>>) target_semaphore(%run_scoped3A : memref<!tpu.dma_semaphore, #tpu.memory_space<semaphore_mem>>)
      %dma_wait3A_249 = arith.constant 0 : i32
      %dma_wait3A_250 = arith.constant 0 : i32
      %dma_wait3A_251 = tpu.memref_slice %arg2[%dma_wait3A_249, %mul3A_4, %dma_wait3A_250] : memref<26x128x128xi32, #tpu.memory_space<hbm>> -> memref<26x4x128xi32, #tpu.memory_space<hbm>>
      %dma_wait3A_252 = arith.constant 0 : i32
      %dma_wait3A_253 = arith.constant 0 : i32
      %dma_wait3A_254 = tpu.memref_slice %arg2[%dma_wait3A_252, %mul3A_4, %dma_wait3A_253] : memref<26x128x128xi32, #tpu.memory_space<hbm>> -> memref<26x4x128xi32, #tpu.memory_space<hbm>>
      tpu.wait_dma2 semaphore(%run_scoped3A : memref<!tpu.dma_semaphore, #tpu.memory_space<semaphore_mem>>) src(%dma_wait3A_254 : memref<26x4x128xi32, #tpu.memory_space<hbm>>) dst(%arg5 : memref<26x4x128xi32, #tpu.memory_space<vmem>>)
      tpu.yield
    }) : () -> ()
    %rem3A = arith.constant 0 : i32
    %rem3A_5 = arith.constant 4 : i32
    %rem3A_6 = arith.remsi %rem3A, %rem3A_5 : i32
    %dma_start3A = arith.constant 0 : i32
    %dma_start3A_7 = arith.constant 0 : i32
    %dma_start3A_8 = arith.constant 0 : i32
    %dma_start3A_9 = arith.constant 0 : i32
    %dma_start3A_10 = tpu.memref_slice %arg6[%dma_start3A_7, %dma_start3A_8, %dma_start3A_9] : memref<8x128x16xf32, #tpu.memory_space<vmem>> -> memref<1x128x16xf32, #tpu.memory_space<vmem>>
    %dma_start3A_11 = tpu.memref_squeeze %dma_start3A_10 : memref<1x128x16xf32, #tpu.memory_space<vmem>> -> memref<128x16xf32, #tpu.memory_space<vmem>>
    %dma_start3A_12 = arith.constant 0 : i32
    %dma_start3A_13 = tpu.memref_slice %arg5[%dma_start3A, %rem3A_6, %dma_start3A_12] : memref<26x4x128xi32, #tpu.memory_space<vmem>> -> memref<1x1x128xi32, #tpu.memory_space<vmem>>
    %dma_start3A_14 = tpu.memref_squeeze %dma_start3A_13 : memref<1x1x128xi32, #tpu.memory_space<vmem>> -> memref<128xi32, #tpu.memory_space<vmem>>
    %dma_start3A_15 = arith.constant 0 : i32
    %dma_start3A_16 = arith.constant 0 : i32
    %dma_start3A_17 = tpu.memref_slice %arg3[%dma_start3A_15, %dma_start3A_16] : memref<2600000x16xf32, #tpu.memory_space<hbm>> -> memref<2600000x16xf32, #tpu.memory_space<hbm>>
    tpu.enqueue_indirect_dma source(%dma_start3A_17 : memref<2600000x16xf32, #tpu.memory_space<hbm>>) target(%dma_start3A_11 : memref<128x16xf32, #tpu.memory_space<vmem>>) offsets(%dma_start3A_14 : memref<128xi32, #tpu.memory_space<vmem>>) semaphore(%arg7 : memref<!tpu.dma_semaphore, #tpu.memory_space<semaphore_mem>>)
    %rem3A_18 = arith.constant 1 : i32
    %rem3A_19 = arith.constant 4 : i32
    %rem3A_20 = arith.remsi %rem3A_18, %rem3A_19 : i32
    %dma_start3A_21 = arith.constant 0 : i32
    %dma_start3A_22 = arith.constant 1 : i32
    %dma_start3A_23 = arith.constant 0 : i32
    %dma_start3A_24 = arith.constant 0 : i32
    %dma_start3A_25 = tpu.memref_slice %arg6[%dma_start3A_22, %dma_start3A_23, %dma_start3A_24] : memref<8x128x16xf32, #tpu.memory_space<vmem>> -> memref<1x128x16xf32, #tpu.memory_space<vmem>>
    %dma_start3A_26 = tpu.memref_squeeze %dma_start3A_25 : memref<1x128x16xf32, #tpu.memory_space<vmem>> -> memref<128x16xf32, #tpu.memory_space<vmem>>
    %dma_start3A_27 = arith.constant 0 : i32
    %dma_start3A_28 = tpu.memref_slice %arg5[%dma_start3A_21, %rem3A_20, %dma_start3A_27] : memref<26x4x128xi32, #tpu.memory_space<vmem>> -> memref<1x1x128xi32, #tpu.memory_space<vmem>>
    %dma_start3A_29 = tpu.memref_squeeze %dma_start3A_28 : memref<1x1x128xi32, #tpu.memory_space<vmem>> -> memref<128xi32, #tpu.memory_space<vmem>>
    %dma_start3A_30 = arith.constant 0 : i32
    %dma_start3A_31 = arith.constant 0 : i32
    %dma_start3A_32 = tpu.memref_slice %arg3[%dma_start3A_30, %dma_start3A_31] : memref<2600000x16xf32, #tpu.memory_space<hbm>> -> memref<2600000x16xf32, #tpu.memory_space<hbm>>
    tpu.enqueue_indirect_dma source(%dma_start3A_32 : memref<2600000x16xf32, #tpu.memory_space<hbm>>) target(%dma_start3A_26 : memref<128x16xf32, #tpu.memory_space<vmem>>) offsets(%dma_start3A_29 : memref<128xi32, #tpu.memory_space<vmem>>) semaphore(%arg8 : memref<!tpu.dma_semaphore, #tpu.memory_space<semaphore_mem>>)
    %rem3A_33 = arith.constant 2 : i32
    %rem3A_34 = arith.constant 4 : i32
    %rem3A_35 = arith.remsi %rem3A_33, %rem3A_34 : i32
    %dma_start3A_36 = arith.constant 0 : i32
    %dma_start3A_37 = arith.constant 2 : i32
    %dma_start3A_38 = arith.constant 0 : i32
    %dma_start3A_39 = arith.constant 0 : i32
    %dma_start3A_40 = tpu.memref_slice %arg6[%dma_start3A_37, %dma_start3A_38, %dma_start3A_39] : memref<8x128x16xf32, #tpu.memory_space<vmem>> -> memref<1x128x16xf32, #tpu.memory_space<vmem>>
    %dma_start3A_41 = tpu.memref_squeeze %dma_start3A_40 : memref<1x128x16xf32, #tpu.memory_space<vmem>> -> memref<128x16xf32, #tpu.memory_space<vmem>>
    %dma_start3A_42 = arith.constant 0 : i32
    %dma_start3A_43 = tpu.memref_slice %arg5[%dma_start3A_36, %rem3A_35, %dma_start3A_42] : memref<26x4x128xi32, #tpu.memory_space<vmem>> -> memref<1x1x128xi32, #tpu.memory_space<vmem>>
    %dma_start3A_44 = tpu.memref_squeeze %dma_start3A_43 : memref<1x1x128xi32, #tpu.memory_space<vmem>> -> memref<128xi32, #tpu.memory_space<vmem>>
    %dma_start3A_45 = arith.constant 0 : i32
    %dma_start3A_46 = arith.constant 0 : i32
    %dma_start3A_47 = tpu.memref_slice %arg3[%dma_start3A_45, %dma_start3A_46] : memref<2600000x16xf32, #tpu.memory_space<hbm>> -> memref<2600000x16xf32, #tpu.memory_space<hbm>>
    tpu.enqueue_indirect_dma source(%dma_start3A_47 : memref<2600000x16xf32, #tpu.memory_space<hbm>>) target(%dma_start3A_41 : memref<128x16xf32, #tpu.memory_space<vmem>>) offsets(%dma_start3A_44 : memref<128xi32, #tpu.memory_space<vmem>>) semaphore(%arg9 : memref<!tpu.dma_semaphore, #tpu.memory_space<semaphore_mem>>)
    %rem3A_48 = arith.constant 3 : i32
    %rem3A_49 = arith.constant 4 : i32
    %rem3A_50 = arith.remsi %rem3A_48, %rem3A_49 : i32
    %dma_start3A_51 = arith.constant 0 : i32
    %dma_start3A_52 = arith.constant 3 : i32
    %dma_start3A_53 = arith.constant 0 : i32
    %dma_start3A_54 = arith.constant 0 : i32
    %dma_start3A_55 = tpu.memref_slice %arg6[%dma_start3A_52, %dma_start3A_53, %dma_start3A_54] : memref<8x128x16xf32, #tpu.memory_space<vmem>> -> memref<1x128x16xf32, #tpu.memory_space<vmem>>
    %dma_start3A_56 = tpu.memref_squeeze %dma_start3A_55 : memref<1x128x16xf32, #tpu.memory_space<vmem>> -> memref<128x16xf32, #tpu.memory_space<vmem>>
    %dma_start3A_57 = arith.constant 0 : i32
    %dma_start3A_58 = tpu.memref_slice %arg5[%dma_start3A_51, %rem3A_50, %dma_start3A_57] : memref<26x4x128xi32, #tpu.memory_space<vmem>> -> memref<1x1x128xi32, #tpu.memory_space<vmem>>
    %dma_start3A_59 = tpu.memref_squeeze %dma_start3A_58 : memref<1x1x128xi32, #tpu.memory_space<vmem>> -> memref<128xi32, #tpu.memory_space<vmem>>
    %dma_start3A_60 = arith.constant 0 : i32
    %dma_start3A_61 = arith.constant 0 : i32
    %dma_start3A_62 = tpu.memref_slice %arg3[%dma_start3A_60, %dma_start3A_61] : memref<2600000x16xf32, #tpu.memory_space<hbm>> -> memref<2600000x16xf32, #tpu.memory_space<hbm>>
    tpu.enqueue_indirect_dma source(%dma_start3A_62 : memref<2600000x16xf32, #tpu.memory_space<hbm>>) target(%dma_start3A_56 : memref<128x16xf32, #tpu.memory_space<vmem>>) offsets(%dma_start3A_59 : memref<128xi32, #tpu.memory_space<vmem>>) semaphore(%arg10 : memref<!tpu.dma_semaphore, #tpu.memory_space<semaphore_mem>>)
    %scan3A = arith.constant 0 : i32
    %scan3A_63 = arith.constant 0 : i32
    %scan3A_64 = arith.constant 13 : i32
    %scan3A_65 = arith.addi %scan3A_63, %scan3A_64 : i32
    %scan3A_66 = arith.constant 1 : i32
    scf.for %scan3A_243 = %scan3A_63 to %scan3A_65 step %scan3A_66  : i32 {
      %mul3A_244 = arith.constant 8 : i32
      %mul3A_245 = arith.muli %scan3A_243, %mul3A_244 : i32
      %add3A_246 = arith.constant 0 : i32
      %add3A_247 = arith.addi %mul3A_245, %add3A_246 : i32
      %add3A_248 = arith.constant 4 : i32
      %add3A_249 = arith.addi %add3A_247, %add3A_248 : i32
      %ge3A = arith.constant 8 : i32
      %ge3A_250 = arith.cmpi sge, %add3A_249, %ge3A : i32
      %lt3A = arith.constant 104 : i32
      %lt3A_251 = arith.cmpi slt, %add3A_249, %lt3A : i32
      %and3A = arith.andi %ge3A_250, %lt3A_251 : i1
      %convert_element_type3A = arith.extui %and3A : i1 to i32
      %cond3A = arith.constant 0 : i32
      %cond3A_252 = arith.cmpi ne, %convert_element_type3A, %cond3A : i32
      scf.if %cond3A_252 {
        %sub3A_1019 = arith.constant 8 : i32
        %sub3A_1020 = arith.subi %add3A_249, %sub3A_1019 : i32
        %jit3A_1021 = arith.constant 4 : i32
        %div3A_1022 = arith.divsi %sub3A_1020, %jit3A_1021 : i32
        %sign3A_1023 = arith.constant 0 : i32
        %sign3A_1024 = arith.cmpi sgt, %sub3A_1020, %sign3A_1023 : i32
        %sign3A_1025 = arith.extui %sign3A_1024 : i1 to i32
        %sign3A_1026 = arith.constant 0 : i32
        %sign3A_1027 = arith.cmpi slt, %sub3A_1020, %sign3A_1026 : i32
        %sign3A_1028 = arith.extui %sign3A_1027 : i1 to i32
        %sign3A_1029 = arith.subi %sign3A_1025, %sign3A_1028 : i32
        %sign3A_1030 = arith.constant 0 : i32
        %sign3A_1031 = arith.cmpi sgt, %jit3A_1021, %sign3A_1030 : i32
        %sign3A_1032 = arith.extui %sign3A_1031 : i1 to i32
        %sign3A_1033 = arith.constant 0 : i32
        %sign3A_1034 = arith.cmpi slt, %jit3A_1021, %sign3A_1033 : i32
        %sign3A_1035 = arith.extui %sign3A_1034 : i1 to i32
        %sign3A_1036 = arith.subi %sign3A_1032, %sign3A_1035 : i32
        %ne3A_1037 = arith.cmpi ne, %sign3A_1029, %sign3A_1036 : i32
        %rem3A_1038 = arith.remsi %sub3A_1020, %jit3A_1021 : i32
        %ne3A_1039 = arith.constant 0 : i32
        %ne3A_1040 = arith.cmpi ne, %rem3A_1038, %ne3A_1039 : i32
        %and3A_1041 = arith.andi %ne3A_1037, %ne3A_1040 : i1
        %sub3A_1042 = arith.constant 1 : i32
        %sub3A_1043 = arith.subi %div3A_1022, %sub3A_1042 : i32
        %select_n3A_1044 = arith.select %and3A_1041, %sub3A_1043, %div3A_1022 : i32
        %rem3A_1045 = arith.constant 4 : i32
        %rem3A_1046 = arith.remsi %sub3A_1020, %rem3A_1045 : i32
        %mul3A_1047 = arith.constant 128 : i32
        %mul3A_1048 = arith.muli %rem3A_1046, %mul3A_1047 : i32
        %add3A_1049 = arith.addi %mul3A_2, %mul3A_1048 : i32
        %dma_wait3A_1050 = arith.constant 4 : i32
        %dma_wait3A_1051 = arith.constant 0 : i32
        %dma_wait3A_1052 = arith.constant 0 : i32
        %dma_wait3A_1053 = tpu.memref_slice %arg6[%dma_wait3A_1050, %dma_wait3A_1051, %dma_wait3A_1052] : memref<8x128x16xf32, #tpu.memory_space<vmem>> -> memref<1x128x16xf32, #tpu.memory_space<vmem>>
        %dma_wait3A_1054 = tpu.memref_squeeze %dma_wait3A_1053 : memref<1x128x16xf32, #tpu.memory_space<vmem>> -> memref<128x16xf32, #tpu.memory_space<vmem>>
        %dma_wait3A_1055 = arith.constant 0 : i32
        %dma_wait3A_1056 = tpu.memref_slice %arg4[%add3A_1049, %select_n3A_1044, %dma_wait3A_1055] : memref<16384x26x16xf32, #tpu.memory_space<hbm>> -> memref<128x1x16xf32, #tpu.memory_space<hbm>>
        %dma_wait3A_1057 = tpu.memref_squeeze %dma_wait3A_1056 : memref<128x1x16xf32, #tpu.memory_space<hbm>> -> memref<128x16xf32, #tpu.memory_space<hbm>>
        %dma_wait3A_1058 = arith.constant 0 : i32
        %dma_wait3A_1059 = tpu.memref_slice %arg4[%add3A_1049, %select_n3A_1044, %dma_wait3A_1058] : memref<16384x26x16xf32, #tpu.memory_space<hbm>> -> memref<128x1x16xf32, #tpu.memory_space<hbm>>
        %dma_wait3A_1060 = tpu.memref_squeeze %dma_wait3A_1059 : memref<128x1x16xf32, #tpu.memory_space<hbm>> -> memref<128x16xf32, #tpu.memory_space<hbm>>
        %dma_wait3A_1061 = arith.constant 0 : i32
        %dma_wait3A_1062 = arith.constant 0 : i32
        %dma_wait3A_1063 = tpu.memref_slice %arg6[%dma_wait3A_1050, %dma_wait3A_1061, %dma_wait3A_1062] : memref<8x128x16xf32, #tpu.memory_space<vmem>> -> memref<1x128x16xf32, #tpu.memory_space<vmem>>
        %dma_wait3A_1064 = tpu.memref_squeeze %dma_wait3A_1063 : memref<1x128x16xf32, #tpu.memory_space<vmem>> -> memref<128x16xf32, #tpu.memory_space<vmem>>
        tpu.wait_dma2 semaphore(%arg19 : memref<!tpu.dma_semaphore, #tpu.memory_space<semaphore_mem>>) src(%dma_wait3A_1064 : memref<128x16xf32, #tpu.memory_space<vmem>>) dst(%dma_wait3A_1060 : memref<128x16xf32, #tpu.memory_space<hbm>>)
      } else {
      }
      %lt3A_253 = arith.constant 104 : i32
      %lt3A_254 = arith.cmpi slt, %add3A_249, %lt3A_253 : i32
      %convert_element_type3A_255 = arith.extui %lt3A_254 : i1 to i32
      %cond3A_256 = arith.constant 0 : i32
      %cond3A_257 = arith.cmpi ne, %convert_element_type3A_255, %cond3A_256 : i32
      scf.if %cond3A_257 {
        %jit3A_1019 = arith.constant 4 : i32
        %div3A_1020 = arith.divsi %add3A_249, %jit3A_1019 : i32
        %sign3A_1021 = arith.constant 0 : i32
        %sign3A_1022 = arith.cmpi sgt, %add3A_249, %sign3A_1021 : i32
        %sign3A_1023 = arith.extui %sign3A_1022 : i1 to i32
        %sign3A_1024 = arith.constant 0 : i32
        %sign3A_1025 = arith.cmpi slt, %add3A_249, %sign3A_1024 : i32
        %sign3A_1026 = arith.extui %sign3A_1025 : i1 to i32
        %sign3A_1027 = arith.subi %sign3A_1023, %sign3A_1026 : i32
        %sign3A_1028 = arith.constant 0 : i32
        %sign3A_1029 = arith.cmpi sgt, %jit3A_1019, %sign3A_1028 : i32
        %sign3A_1030 = arith.extui %sign3A_1029 : i1 to i32
        %sign3A_1031 = arith.constant 0 : i32
        %sign3A_1032 = arith.cmpi slt, %jit3A_1019, %sign3A_1031 : i32
        %sign3A_1033 = arith.extui %sign3A_1032 : i1 to i32
        %sign3A_1034 = arith.subi %sign3A_1030, %sign3A_1033 : i32
        %ne3A_1035 = arith.cmpi ne, %sign3A_1027, %sign3A_1034 : i32
        %rem3A_1036 = arith.remsi %add3A_249, %jit3A_1019 : i32
        %ne3A_1037 = arith.constant 0 : i32
        %ne3A_1038 = arith.cmpi ne, %rem3A_1036, %ne3A_1037 : i32
        %and3A_1039 = arith.andi %ne3A_1035, %ne3A_1038 : i1
        %sub3A_1040 = arith.constant 1 : i32
        %sub3A_1041 = arith.subi %div3A_1020, %sub3A_1040 : i32
        %select_n3A_1042 = arith.select %and3A_1039, %sub3A_1041, %div3A_1020 : i32
        %rem3A_1043 = arith.constant 4 : i32
        %rem3A_1044 = arith.remsi %add3A_249, %rem3A_1043 : i32
        %dma_start3A_1045 = arith.constant 4 : i32
        %dma_start3A_1046 = arith.constant 0 : i32
        %dma_start3A_1047 = arith.constant 0 : i32
        %dma_start3A_1048 = tpu.memref_slice %arg6[%dma_start3A_1045, %dma_start3A_1046, %dma_start3A_1047] : memref<8x128x16xf32, #tpu.memory_space<vmem>> -> memref<1x128x16xf32, #tpu.memory_space<vmem>>
        %dma_start3A_1049 = tpu.memref_squeeze %dma_start3A_1048 : memref<1x128x16xf32, #tpu.memory_space<vmem>> -> memref<128x16xf32, #tpu.memory_space<vmem>>
        %dma_start3A_1050 = arith.constant 0 : i32
        %dma_start3A_1051 = tpu.memref_slice %arg5[%select_n3A_1042, %rem3A_1044, %dma_start3A_1050] : memref<26x4x128xi32, #tpu.memory_space<vmem>> -> memref<1x1x128xi32, #tpu.memory_space<vmem>>
        %dma_start3A_1052 = tpu.memref_squeeze %dma_start3A_1051 : memref<1x1x128xi32, #tpu.memory_space<vmem>> -> memref<128xi32, #tpu.memory_space<vmem>>
        %dma_start3A_1053 = arith.constant 0 : i32
        %dma_start3A_1054 = arith.constant 0 : i32
        %dma_start3A_1055 = tpu.memref_slice %arg3[%dma_start3A_1053, %dma_start3A_1054] : memref<2600000x16xf32, #tpu.memory_space<hbm>> -> memref<2600000x16xf32, #tpu.memory_space<hbm>>
        tpu.enqueue_indirect_dma source(%dma_start3A_1055 : memref<2600000x16xf32, #tpu.memory_space<hbm>>) target(%dma_start3A_1049 : memref<128x16xf32, #tpu.memory_space<vmem>>) offsets(%dma_start3A_1052 : memref<128xi32, #tpu.memory_space<vmem>>) semaphore(%arg11 : memref<!tpu.dma_semaphore, #tpu.memory_space<semaphore_mem>>)
      } else {
      }
      %jit3A = arith.constant 4 : i32
      %div3A = arith.divsi %add3A_247, %jit3A : i32
      %sign3A = arith.constant 0 : i32
      %sign3A_258 = arith.cmpi sgt, %add3A_247, %sign3A : i32
      %sign3A_259 = arith.extui %sign3A_258 : i1 to i32
      %sign3A_260 = arith.constant 0 : i32
      %sign3A_261 = arith.cmpi slt, %add3A_247, %sign3A_260 : i32
      %sign3A_262 = arith.extui %sign3A_261 : i1 to i32
      %sign3A_263 = arith.subi %sign3A_259, %sign3A_262 : i32
      %sign3A_264 = arith.constant 0 : i32
      %sign3A_265 = arith.cmpi sgt, %jit3A, %sign3A_264 : i32
      %sign3A_266 = arith.extui %sign3A_265 : i1 to i32
      %sign3A_267 = arith.constant 0 : i32
      %sign3A_268 = arith.cmpi slt, %jit3A, %sign3A_267 : i32
      %sign3A_269 = arith.extui %sign3A_268 : i1 to i32
      %sign3A_270 = arith.subi %sign3A_266, %sign3A_269 : i32
      %ne3A = arith.cmpi ne, %sign3A_263, %sign3A_270 : i32
      %rem3A_271 = arith.remsi %add3A_247, %jit3A : i32
      %ne3A_272 = arith.constant 0 : i32
      %ne3A_273 = arith.cmpi ne, %rem3A_271, %ne3A_272 : i32
      %and3A_274 = arith.andi %ne3A, %ne3A_273 : i1
      %sub3A = arith.constant 1 : i32
      %sub3A_275 = arith.subi %div3A, %sub3A : i32
      %select_n3A = arith.select %and3A_274, %sub3A_275, %div3A : i32
      %rem3A_276 = arith.constant 4 : i32
      %rem3A_277 = arith.remsi %add3A_247, %rem3A_276 : i32
      %dma_wait3A_278 = arith.constant 0 : i32
      %dma_wait3A_279 = arith.constant 0 : i32
      %dma_wait3A_280 = arith.constant 0 : i32
      %dma_wait3A_281 = tpu.memref_slice %arg6[%dma_wait3A_278, %dma_wait3A_279, %dma_wait3A_280] : memref<8x128x16xf32, #tpu.memory_space<vmem>> -> memref<1x128x16xf32, #tpu.memory_space<vmem>>
      %dma_wait3A_282 = tpu.memref_squeeze %dma_wait3A_281 : memref<1x128x16xf32, #tpu.memory_space<vmem>> -> memref<128x16xf32, #tpu.memory_space<vmem>>
      %dma_wait3A_283 = arith.constant 0 : i32
      %dma_wait3A_284 = tpu.memref_slice %arg5[%select_n3A, %rem3A_277, %dma_wait3A_283] : memref<26x4x128xi32, #tpu.memory_space<vmem>> -> memref<1x1x128xi32, #tpu.memory_space<vmem>>
      %dma_wait3A_285 = tpu.memref_squeeze %dma_wait3A_284 : memref<1x1x128xi32, #tpu.memory_space<vmem>> -> memref<128xi32, #tpu.memory_space<vmem>>
      %dma_wait3A_286 = arith.constant 0 : i32
      %dma_wait3A_287 = arith.constant 0 : i32
      %dma_wait3A_288 = tpu.memref_slice %arg3[%dma_wait3A_286, %dma_wait3A_287] : memref<2600000x16xf32, #tpu.memory_space<hbm>> -> memref<2600000x16xf32, #tpu.memory_space<hbm>>
      tpu.wait_indirect_dma semaphore(%arg7 : memref<!tpu.dma_semaphore, #tpu.memory_space<semaphore_mem>>) src(%dma_wait3A_288 : memref<2600000x16xf32, #tpu.memory_space<hbm>>) dst(%dma_wait3A_282 : memref<128x16xf32, #tpu.memory_space<vmem>>)
      %jit3A_289 = arith.constant 4 : i32
      %div3A_290 = arith.divsi %add3A_247, %jit3A_289 : i32
      %sign3A_291 = arith.constant 0 : i32
      %sign3A_292 = arith.cmpi sgt, %add3A_247, %sign3A_291 : i32
      %sign3A_293 = arith.extui %sign3A_292 : i1 to i32
      %sign3A_294 = arith.constant 0 : i32
      %sign3A_295 = arith.cmpi slt, %add3A_247, %sign3A_294 : i32
      %sign3A_296 = arith.extui %sign3A_295 : i1 to i32
      %sign3A_297 = arith.subi %sign3A_293, %sign3A_296 : i32
      %sign3A_298 = arith.constant 0 : i32
      %sign3A_299 = arith.cmpi sgt, %jit3A_289, %sign3A_298 : i32
      %sign3A_300 = arith.extui %sign3A_299 : i1 to i32
      %sign3A_301 = arith.constant 0 : i32
      %sign3A_302 = arith.cmpi slt, %jit3A_289, %sign3A_301 : i32
      %sign3A_303 = arith.extui %sign3A_302 : i1 to i32
      %sign3A_304 = arith.subi %sign3A_300, %sign3A_303 : i32
      %ne3A_305 = arith.cmpi ne, %sign3A_297, %sign3A_304 : i32
      %rem3A_306 = arith.remsi %add3A_247, %jit3A_289 : i32
      %ne3A_307 = arith.constant 0 : i32
      %ne3A_308 = arith.cmpi ne, %rem3A_306, %ne3A_307 : i32
      %and3A_309 = arith.andi %ne3A_305, %ne3A_308 : i1
      %sub3A_310 = arith.constant 1 : i32
      %sub3A_311 = arith.subi %div3A_290, %sub3A_310 : i32
      %select_n3A_312 = arith.select %and3A_309, %sub3A_311, %div3A_290 : i32
      %rem3A_313 = arith.constant 4 : i32
      %rem3A_314 = arith.remsi %add3A_247, %rem3A_313 : i32
      %mul3A_315 = arith.constant 128 : i32
      %mul3A_316 = arith.muli %rem3A_314, %mul3A_315 : i32
      %add3A_317 = arith.addi %mul3A_2, %mul3A_316 : i32
      %dma_start3A_318 = arith.constant 0 : i32
      %dma_start3A_319 = arith.constant 0 : i32
      %dma_start3A_320 = arith.constant 0 : i32
      %dma_start3A_321 = tpu.memref_slice %arg6[%dma_start3A_318, %dma_start3A_319, %dma_start3A_320] : memref<8x128x16xf32, #tpu.memory_space<vmem>> -> memref<1x128x16xf32, #tpu.memory_space<vmem>>
      %dma_start3A_322 = tpu.memref_squeeze %dma_start3A_321 : memref<1x128x16xf32, #tpu.memory_space<vmem>> -> memref<128x16xf32, #tpu.memory_space<vmem>>
      %dma_start3A_323 = arith.constant 0 : i32
      %dma_start3A_324 = tpu.memref_slice %arg4[%add3A_317, %select_n3A_312, %dma_start3A_323] : memref<16384x26x16xf32, #tpu.memory_space<hbm>> -> memref<128x1x16xf32, #tpu.memory_space<hbm>>
      %dma_start3A_325 = tpu.memref_squeeze %dma_start3A_324 : memref<128x1x16xf32, #tpu.memory_space<hbm>> -> memref<128x16xf32, #tpu.memory_space<hbm>>
      %dma_start3A_326 = arith.constant 0 : i32
      %dma_start3A_327 = tpu.memref_slice %arg4[%add3A_317, %select_n3A_312, %dma_start3A_326] : memref<16384x26x16xf32, #tpu.memory_space<hbm>> -> memref<128x1x16xf32, #tpu.memory_space<hbm>>
      %dma_start3A_328 = tpu.memref_squeeze %dma_start3A_327 : memref<128x1x16xf32, #tpu.memory_space<hbm>> -> memref<128x16xf32, #tpu.memory_space<hbm>>
      %dma_start3A_329 = arith.constant 0 : i32
      %dma_start3A_330 = arith.constant 0 : i32
      %dma_start3A_331 = tpu.memref_slice %arg6[%dma_start3A_318, %dma_start3A_329, %dma_start3A_330] : memref<8x128x16xf32, #tpu.memory_space<vmem>> -> memref<1x128x16xf32, #tpu.memory_space<vmem>>
      %dma_start3A_332 = tpu.memref_squeeze %dma_start3A_331 : memref<1x128x16xf32, #tpu.memory_space<vmem>> -> memref<128x16xf32, #tpu.memory_space<vmem>>
      tpu.enqueue_dma source(%dma_start3A_332 : memref<128x16xf32, #tpu.memory_space<vmem>>) target(%dma_start3A_328 : memref<128x16xf32, #tpu.memory_space<hbm>>) target_semaphore(%arg15 : memref<!tpu.dma_semaphore, #tpu.memory_space<semaphore_mem>>)
      %add3A_333 = arith.constant 1 : i32
      %add3A_334 = arith.addi %mul3A_245, %add3A_333 : i32
      %add3A_335 = arith.constant 4 : i32
      %add3A_336 = arith.addi %add3A_334, %add3A_335 : i32
      %ge3A_337 = arith.constant 8 : i32
      %ge3A_338 = arith.cmpi sge, %add3A_336, %ge3A_337 : i32
      %lt3A_339 = arith.constant 104 : i32
      %lt3A_340 = arith.cmpi slt, %add3A_336, %lt3A_339 : i32
      %and3A_341 = arith.andi %ge3A_338, %lt3A_340 : i1
      %convert_element_type3A_342 = arith.extui %and3A_341 : i1 to i32
      %cond3A_343 = arith.constant 0 : i32
      %cond3A_344 = arith.cmpi ne, %convert_element_type3A_342, %cond3A_343 : i32
      scf.if %cond3A_344 {
        %sub3A_1019 = arith.constant 8 : i32
        %sub3A_1020 = arith.subi %add3A_336, %sub3A_1019 : i32
        %jit3A_1021 = arith.constant 4 : i32
        %div3A_1022 = arith.divsi %sub3A_1020, %jit3A_1021 : i32
        %sign3A_1023 = arith.constant 0 : i32
        %sign3A_1024 = arith.cmpi sgt, %sub3A_1020, %sign3A_1023 : i32
        %sign3A_1025 = arith.extui %sign3A_1024 : i1 to i32
        %sign3A_1026 = arith.constant 0 : i32
        %sign3A_1027 = arith.cmpi slt, %sub3A_1020, %sign3A_1026 : i32
        %sign3A_1028 = arith.extui %sign3A_1027 : i1 to i32
        %sign3A_1029 = arith.subi %sign3A_1025, %sign3A_1028 : i32
        %sign3A_1030 = arith.constant 0 : i32
        %sign3A_1031 = arith.cmpi sgt, %jit3A_1021, %sign3A_1030 : i32
        %sign3A_1032 = arith.extui %sign3A_1031 : i1 to i32
        %sign3A_1033 = arith.constant 0 : i32
        %sign3A_1034 = arith.cmpi slt, %jit3A_1021, %sign3A_1033 : i32
        %sign3A_1035 = arith.extui %sign3A_1034 : i1 to i32
        %sign3A_1036 = arith.subi %sign3A_1032, %sign3A_1035 : i32
        %ne3A_1037 = arith.cmpi ne, %sign3A_1029, %sign3A_1036 : i32
        %rem3A_1038 = arith.remsi %sub3A_1020, %jit3A_1021 : i32
        %ne3A_1039 = arith.constant 0 : i32
        %ne3A_1040 = arith.cmpi ne, %rem3A_1038, %ne3A_1039 : i32
        %and3A_1041 = arith.andi %ne3A_1037, %ne3A_1040 : i1
        %sub3A_1042 = arith.constant 1 : i32
        %sub3A_1043 = arith.subi %div3A_1022, %sub3A_1042 : i32
        %select_n3A_1044 = arith.select %and3A_1041, %sub3A_1043, %div3A_1022 : i32
        %rem3A_1045 = arith.constant 4 : i32
        %rem3A_1046 = arith.remsi %sub3A_1020, %rem3A_1045 : i32
        %mul3A_1047 = arith.constant 128 : i32
        %mul3A_1048 = arith.muli %rem3A_1046, %mul3A_1047 : i32
        %add3A_1049 = arith.addi %mul3A_2, %mul3A_1048 : i32
        %dma_wait3A_1050 = arith.constant 5 : i32
        %dma_wait3A_1051 = arith.constant 0 : i32
        %dma_wait3A_1052 = arith.constant 0 : i32
        %dma_wait3A_1053 = tpu.memref_slice %arg6[%dma_wait3A_1050, %dma_wait3A_1051, %dma_wait3A_1052] : memref<8x128x16xf32, #tpu.memory_space<vmem>> -> memref<1x128x16xf32, #tpu.memory_space<vmem>>
        %dma_wait3A_1054 = tpu.memref_squeeze %dma_wait3A_1053 : memref<1x128x16xf32, #tpu.memory_space<vmem>> -> memref<128x16xf32, #tpu.memory_space<vmem>>
        %dma_wait3A_1055 = arith.constant 0 : i32
        %dma_wait3A_1056 = tpu.memref_slice %arg4[%add3A_1049, %select_n3A_1044, %dma_wait3A_1055] : memref<16384x26x16xf32, #tpu.memory_space<hbm>> -> memref<128x1x16xf32, #tpu.memory_space<hbm>>
        %dma_wait3A_1057 = tpu.memref_squeeze %dma_wait3A_1056 : memref<128x1x16xf32, #tpu.memory_space<hbm>> -> memref<128x16xf32, #tpu.memory_space<hbm>>
        %dma_wait3A_1058 = arith.constant 0 : i32
        %dma_wait3A_1059 = tpu.memref_slice %arg4[%add3A_1049, %select_n3A_1044, %dma_wait3A_1058] : memref<16384x26x16xf32, #tpu.memory_space<hbm>> -> memref<128x1x16xf32, #tpu.memory_space<hbm>>
        %dma_wait3A_1060 = tpu.memref_squeeze %dma_wait3A_1059 : memref<128x1x16xf32, #tpu.memory_space<hbm>> -> memref<128x16xf32, #tpu.memory_space<hbm>>
        %dma_wait3A_1061 = arith.constant 0 : i32
        %dma_wait3A_1062 = arith.constant 0 : i32
        %dma_wait3A_1063 = tpu.memref_slice %arg6[%dma_wait3A_1050, %dma_wait3A_1061, %dma_wait3A_1062] : memref<8x128x16xf32, #tpu.memory_space<vmem>> -> memref<1x128x16xf32, #tpu.memory_space<vmem>>
        %dma_wait3A_1064 = tpu.memref_squeeze %dma_wait3A_1063 : memref<1x128x16xf32, #tpu.memory_space<vmem>> -> memref<128x16xf32, #tpu.memory_space<vmem>>
        tpu.wait_dma2 semaphore(%arg20 : memref<!tpu.dma_semaphore, #tpu.memory_space<semaphore_mem>>) src(%dma_wait3A_1064 : memref<128x16xf32, #tpu.memory_space<vmem>>) dst(%dma_wait3A_1060 : memref<128x16xf32, #tpu.memory_space<hbm>>)
      } else {
      }
      %lt3A_345 = arith.constant 104 : i32
      %lt3A_346 = arith.cmpi slt, %add3A_336, %lt3A_345 : i32
      %convert_element_type3A_347 = arith.extui %lt3A_346 : i1 to i32
      %cond3A_348 = arith.constant 0 : i32
      %cond3A_349 = arith.cmpi ne, %convert_element_type3A_347, %cond3A_348 : i32
      scf.if %cond3A_349 {
        %jit3A_1019 = arith.constant 4 : i32
        %div3A_1020 = arith.divsi %add3A_336, %jit3A_1019 : i32
        %sign3A_1021 = arith.constant 0 : i32
        %sign3A_1022 = arith.cmpi sgt, %add3A_336, %sign3A_1021 : i32
        %sign3A_1023 = arith.extui %sign3A_1022 : i1 to i32
        %sign3A_1024 = arith.constant 0 : i32
        %sign3A_1025 = arith.cmpi slt, %add3A_336, %sign3A_1024 : i32
        %sign3A_1026 = arith.extui %sign3A_1025 : i1 to i32
        %sign3A_1027 = arith.subi %sign3A_1023, %sign3A_1026 : i32
        %sign3A_1028 = arith.constant 0 : i32
        %sign3A_1029 = arith.cmpi sgt, %jit3A_1019, %sign3A_1028 : i32
        %sign3A_1030 = arith.extui %sign3A_1029 : i1 to i32
        %sign3A_1031 = arith.constant 0 : i32
        %sign3A_1032 = arith.cmpi slt, %jit3A_1019, %sign3A_1031 : i32
        %sign3A_1033 = arith.extui %sign3A_1032 : i1 to i32
        %sign3A_1034 = arith.subi %sign3A_1030, %sign3A_1033 : i32
        %ne3A_1035 = arith.cmpi ne, %sign3A_1027, %sign3A_1034 : i32
        %rem3A_1036 = arith.remsi %add3A_336, %jit3A_1019 : i32
        %ne3A_1037 = arith.constant 0 : i32
        %ne3A_1038 = arith.cmpi ne, %rem3A_1036, %ne3A_1037 : i32
        %and3A_1039 = arith.andi %ne3A_1035, %ne3A_1038 : i1
        %sub3A_1040 = arith.constant 1 : i32
        %sub3A_1041 = arith.subi %div3A_1020, %sub3A_1040 : i32
        %select_n3A_1042 = arith.select %and3A_1039, %sub3A_1041, %div3A_1020 : i32
        %rem3A_1043 = arith.constant 4 : i32
        %rem3A_1044 = arith.remsi %add3A_336, %rem3A_1043 : i32
        %dma_start3A_1045 = arith.constant 5 : i32
        %dma_start3A_1046 = arith.constant 0 : i32
        %dma_start3A_1047 = arith.constant 0 : i32
        %dma_start3A_1048 = tpu.memref_slice %arg6[%dma_start3A_1045, %dma_start3A_1046, %dma_start3A_1047] : memref<8x128x16xf32, #tpu.memory_space<vmem>> -> memref<1x128x16xf32, #tpu.memory_space<vmem>>
        %dma_start3A_1049 = tpu.memref_squeeze %dma_start3A_1048 : memref<1x128x16xf32, #tpu.memory_space<vmem>> -> memref<128x16xf32, #tpu.memory_space<vmem>>
        %dma_start3A_1050 = arith.constant 0 : i32
        %dma_start3A_1051 = tpu.memref_slice %arg5[%select_n3A_1042, %rem3A_1044, %dma_start3A_1050] : memref<26x4x128xi32, #tpu.memory_space<vmem>> -> memref<1x1x128xi32, #tpu.memory_space<vmem>>
        %dma_start3A_1052 = tpu.memref_squeeze %dma_start3A_1051 : memref<1x1x128xi32, #tpu.memory_space<vmem>> -> memref<128xi32, #tpu.memory_space<vmem>>
        %dma_start3A_1053 = arith.constant 0 : i32
        %dma_start3A_1054 = arith.constant 0 : i32
        %dma_start3A_1055 = tpu.memref_slice %arg3[%dma_start3A_1053, %dma_start3A_1054] : memref<2600000x16xf32, #tpu.memory_space<hbm>> -> memref<2600000x16xf32, #tpu.memory_space<hbm>>
        tpu.enqueue_indirect_dma source(%dma_start3A_1055 : memref<2600000x16xf32, #tpu.memory_space<hbm>>) target(%dma_start3A_1049 : memref<128x16xf32, #tpu.memory_space<vmem>>) offsets(%dma_start3A_1052 : memref<128xi32, #tpu.memory_space<vmem>>) semaphore(%arg12 : memref<!tpu.dma_semaphore, #tpu.memory_space<semaphore_mem>>)
      } else {
      }
      %jit3A_350 = arith.constant 4 : i32
      %div3A_351 = arith.divsi %add3A_334, %jit3A_350 : i32
      %sign3A_352 = arith.constant 0 : i32
      %sign3A_353 = arith.cmpi sgt, %add3A_334, %sign3A_352 : i32
      %sign3A_354 = arith.extui %sign3A_353 : i1 to i32
      %sign3A_355 = arith.constant 0 : i32
      %sign3A_356 = arith.cmpi slt, %add3A_334, %sign3A_355 : i32
      %sign3A_357 = arith.extui %sign3A_356 : i1 to i32
      %sign3A_358 = arith.subi %sign3A_354, %sign3A_357 : i32
      %sign3A_359 = arith.constant 0 : i32
      %sign3A_360 = arith.cmpi sgt, %jit3A_350, %sign3A_359 : i32
      %sign3A_361 = arith.extui %sign3A_360 : i1 to i32
      %sign3A_362 = arith.constant 0 : i32
      %sign3A_363 = arith.cmpi slt, %jit3A_350, %sign3A_362 : i32
      %sign3A_364 = arith.extui %sign3A_363 : i1 to i32
      %sign3A_365 = arith.subi %sign3A_361, %sign3A_364 : i32
      %ne3A_366 = arith.cmpi ne, %sign3A_358, %sign3A_365 : i32
      %rem3A_367 = arith.remsi %add3A_334, %jit3A_350 : i32
      %ne3A_368 = arith.constant 0 : i32
      %ne3A_369 = arith.cmpi ne, %rem3A_367, %ne3A_368 : i32
      %and3A_370 = arith.andi %ne3A_366, %ne3A_369 : i1
      %sub3A_371 = arith.constant 1 : i32
      %sub3A_372 = arith.subi %div3A_351, %sub3A_371 : i32
      %select_n3A_373 = arith.select %and3A_370, %sub3A_372, %div3A_351 : i32
      %rem3A_374 = arith.constant 4 : i32
      %rem3A_375 = arith.remsi %add3A_334, %rem3A_374 : i32
      %dma_wait3A_376 = arith.constant 1 : i32
      %dma_wait3A_377 = arith.constant 0 : i32
      %dma_wait3A_378 = arith.constant 0 : i32
      %dma_wait3A_379 = tpu.memref_slice %arg6[%dma_wait3A_376, %dma_wait3A_377, %dma_wait3A_378] : memref<8x128x16xf32, #tpu.memory_space<vmem>> -> memref<1x128x16xf32, #tpu.memory_space<vmem>>
      %dma_wait3A_380 = tpu.memref_squeeze %dma_wait3A_379 : memref<1x128x16xf32, #tpu.memory_space<vmem>> -> memref<128x16xf32, #tpu.memory_space<vmem>>
      %dma_wait3A_381 = arith.constant 0 : i32
      %dma_wait3A_382 = tpu.memref_slice %arg5[%select_n3A_373, %rem3A_375, %dma_wait3A_381] : memref<26x4x128xi32, #tpu.memory_space<vmem>> -> memref<1x1x128xi32, #tpu.memory_space<vmem>>
      %dma_wait3A_383 = tpu.memref_squeeze %dma_wait3A_382 : memref<1x1x128xi32, #tpu.memory_space<vmem>> -> memref<128xi32, #tpu.memory_space<vmem>>
      %dma_wait3A_384 = arith.constant 0 : i32
      %dma_wait3A_385 = arith.constant 0 : i32
      %dma_wait3A_386 = tpu.memref_slice %arg3[%dma_wait3A_384, %dma_wait3A_385] : memref<2600000x16xf32, #tpu.memory_space<hbm>> -> memref<2600000x16xf32, #tpu.memory_space<hbm>>
      tpu.wait_indirect_dma semaphore(%arg8 : memref<!tpu.dma_semaphore, #tpu.memory_space<semaphore_mem>>) src(%dma_wait3A_386 : memref<2600000x16xf32, #tpu.memory_space<hbm>>) dst(%dma_wait3A_380 : memref<128x16xf32, #tpu.memory_space<vmem>>)
      %jit3A_387 = arith.constant 4 : i32
      %div3A_388 = arith.divsi %add3A_334, %jit3A_387 : i32
      %sign3A_389 = arith.constant 0 : i32
      %sign3A_390 = arith.cmpi sgt, %add3A_334, %sign3A_389 : i32
      %sign3A_391 = arith.extui %sign3A_390 : i1 to i32
      %sign3A_392 = arith.constant 0 : i32
      %sign3A_393 = arith.cmpi slt, %add3A_334, %sign3A_392 : i32
      %sign3A_394 = arith.extui %sign3A_393 : i1 to i32
      %sign3A_395 = arith.subi %sign3A_391, %sign3A_394 : i32
      %sign3A_396 = arith.constant 0 : i32
      %sign3A_397 = arith.cmpi sgt, %jit3A_387, %sign3A_396 : i32
      %sign3A_398 = arith.extui %sign3A_397 : i1 to i32
      %sign3A_399 = arith.constant 0 : i32
      %sign3A_400 = arith.cmpi slt, %jit3A_387, %sign3A_399 : i32
      %sign3A_401 = arith.extui %sign3A_400 : i1 to i32
      %sign3A_402 = arith.subi %sign3A_398, %sign3A_401 : i32
      %ne3A_403 = arith.cmpi ne, %sign3A_395, %sign3A_402 : i32
      %rem3A_404 = arith.remsi %add3A_334, %jit3A_387 : i32
      %ne3A_405 = arith.constant 0 : i32
      %ne3A_406 = arith.cmpi ne, %rem3A_404, %ne3A_405 : i32
      %and3A_407 = arith.andi %ne3A_403, %ne3A_406 : i1
      %sub3A_408 = arith.constant 1 : i32
      %sub3A_409 = arith.subi %div3A_388, %sub3A_408 : i32
      %select_n3A_410 = arith.select %and3A_407, %sub3A_409, %div3A_388 : i32
      %rem3A_411 = arith.constant 4 : i32
      %rem3A_412 = arith.remsi %add3A_334, %rem3A_411 : i32
      %mul3A_413 = arith.constant 128 : i32
      %mul3A_414 = arith.muli %rem3A_412, %mul3A_413 : i32
      %add3A_415 = arith.addi %mul3A_2, %mul3A_414 : i32
      %dma_start3A_416 = arith.constant 1 : i32
      %dma_start3A_417 = arith.constant 0 : i32
      %dma_start3A_418 = arith.constant 0 : i32
      %dma_start3A_419 = tpu.memref_slice %arg6[%dma_start3A_416, %dma_start3A_417, %dma_start3A_418] : memref<8x128x16xf32, #tpu.memory_space<vmem>> -> memref<1x128x16xf32, #tpu.memory_space<vmem>>
      %dma_start3A_420 = tpu.memref_squeeze %dma_start3A_419 : memref<1x128x16xf32, #tpu.memory_space<vmem>> -> memref<128x16xf32, #tpu.memory_space<vmem>>
      %dma_start3A_421 = arith.constant 0 : i32
      %dma_start3A_422 = tpu.memref_slice %arg4[%add3A_415, %select_n3A_410, %dma_start3A_421] : memref<16384x26x16xf32, #tpu.memory_space<hbm>> -> memref<128x1x16xf32, #tpu.memory_space<hbm>>
      %dma_start3A_423 = tpu.memref_squeeze %dma_start3A_422 : memref<128x1x16xf32, #tpu.memory_space<hbm>> -> memref<128x16xf32, #tpu.memory_space<hbm>>
      %dma_start3A_424 = arith.constant 0 : i32
      %dma_start3A_425 = tpu.memref_slice %arg4[%add3A_415, %select_n3A_410, %dma_start3A_424] : memref<16384x26x16xf32, #tpu.memory_space<hbm>> -> memref<128x1x16xf32, #tpu.memory_space<hbm>>
      %dma_start3A_426 = tpu.memref_squeeze %dma_start3A_425 : memref<128x1x16xf32, #tpu.memory_space<hbm>> -> memref<128x16xf32, #tpu.memory_space<hbm>>
      %dma_start3A_427 = arith.constant 0 : i32
      %dma_start3A_428 = arith.constant 0 : i32
      %dma_start3A_429 = tpu.memref_slice %arg6[%dma_start3A_416, %dma_start3A_427, %dma_start3A_428] : memref<8x128x16xf32, #tpu.memory_space<vmem>> -> memref<1x128x16xf32, #tpu.memory_space<vmem>>
      %dma_start3A_430 = tpu.memref_squeeze %dma_start3A_429 : memref<1x128x16xf32, #tpu.memory_space<vmem>> -> memref<128x16xf32, #tpu.memory_space<vmem>>
      tpu.enqueue_dma source(%dma_start3A_430 : memref<128x16xf32, #tpu.memory_space<vmem>>) target(%dma_start3A_426 : memref<128x16xf32, #tpu.memory_space<hbm>>) target_semaphore(%arg16 : memref<!tpu.dma_semaphore, #tpu.memory_space<semaphore_mem>>)
      %add3A_431 = arith.constant 2 : i32
      %add3A_432 = arith.addi %mul3A_245, %add3A_431 : i32
      %add3A_433 = arith.constant 4 : i32
      %add3A_434 = arith.addi %add3A_432, %add3A_433 : i32
      %ge3A_435 = arith.constant 8 : i32
      %ge3A_436 = arith.cmpi sge, %add3A_434, %ge3A_435 : i32
      %lt3A_437 = arith.constant 104 : i32
      %lt3A_438 = arith.cmpi slt, %add3A_434, %lt3A_437 : i32
      %and3A_439 = arith.andi %ge3A_436, %lt3A_438 : i1
      %convert_element_type3A_440 = arith.extui %and3A_439 : i1 to i32
      %cond3A_441 = arith.constant 0 : i32
      %cond3A_442 = arith.cmpi ne, %convert_element_type3A_440, %cond3A_441 : i32
      scf.if %cond3A_442 {
        %sub3A_1019 = arith.constant 8 : i32
        %sub3A_1020 = arith.subi %add3A_434, %sub3A_1019 : i32
        %jit3A_1021 = arith.constant 4 : i32
        %div3A_1022 = arith.divsi %sub3A_1020, %jit3A_1021 : i32
        %sign3A_1023 = arith.constant 0 : i32
        %sign3A_1024 = arith.cmpi sgt, %sub3A_1020, %sign3A_1023 : i32
        %sign3A_1025 = arith.extui %sign3A_1024 : i1 to i32
        %sign3A_1026 = arith.constant 0 : i32
        %sign3A_1027 = arith.cmpi slt, %sub3A_1020, %sign3A_1026 : i32
        %sign3A_1028 = arith.extui %sign3A_1027 : i1 to i32
        %sign3A_1029 = arith.subi %sign3A_1025, %sign3A_1028 : i32
        %sign3A_1030 = arith.constant 0 : i32
        %sign3A_1031 = arith.cmpi sgt, %jit3A_1021, %sign3A_1030 : i32
        %sign3A_1032 = arith.extui %sign3A_1031 : i1 to i32
        %sign3A_1033 = arith.constant 0 : i32
        %sign3A_1034 = arith.cmpi slt, %jit3A_1021, %sign3A_1033 : i32
        %sign3A_1035 = arith.extui %sign3A_1034 : i1 to i32
        %sign3A_1036 = arith.subi %sign3A_1032, %sign3A_1035 : i32
        %ne3A_1037 = arith.cmpi ne, %sign3A_1029, %sign3A_1036 : i32
        %rem3A_1038 = arith.remsi %sub3A_1020, %jit3A_1021 : i32
        %ne3A_1039 = arith.constant 0 : i32
        %ne3A_1040 = arith.cmpi ne, %rem3A_1038, %ne3A_1039 : i32
        %and3A_1041 = arith.andi %ne3A_1037, %ne3A_1040 : i1
        %sub3A_1042 = arith.constant 1 : i32
        %sub3A_1043 = arith.subi %div3A_1022, %sub3A_1042 : i32
        %select_n3A_1044 = arith.select %and3A_1041, %sub3A_1043, %div3A_1022 : i32
        %rem3A_1045 = arith.constant 4 : i32
        %rem3A_1046 = arith.remsi %sub3A_1020, %rem3A_1045 : i32
        %mul3A_1047 = arith.constant 128 : i32
        %mul3A_1048 = arith.muli %rem3A_1046, %mul3A_1047 : i32
        %add3A_1049 = arith.addi %mul3A_2, %mul3A_1048 : i32
        %dma_wait3A_1050 = arith.constant 6 : i32
        %dma_wait3A_1051 = arith.constant 0 : i32
        %dma_wait3A_1052 = arith.constant 0 : i32
        %dma_wait3A_1053 = tpu.memref_slice %arg6[%dma_wait3A_1050, %dma_wait3A_1051, %dma_wait3A_1052] : memref<8x128x16xf32, #tpu.memory_space<vmem>> -> memref<1x128x16xf32, #tpu.memory_space<vmem>>
        %dma_wait3A_1054 = tpu.memref_squeeze %dma_wait3A_1053 : memref<1x128x16xf32, #tpu.memory_space<vmem>> -> memref<128x16xf32, #tpu.memory_space<vmem>>
        %dma_wait3A_1055 = arith.constant 0 : i32
        %dma_wait3A_1056 = tpu.memref_slice %arg4[%add3A_1049, %select_n3A_1044, %dma_wait3A_1055] : memref<16384x26x16xf32, #tpu.memory_space<hbm>> -> memref<128x1x16xf32, #tpu.memory_space<hbm>>
        %dma_wait3A_1057 = tpu.memref_squeeze %dma_wait3A_1056 : memref<128x1x16xf32, #tpu.memory_space<hbm>> -> memref<128x16xf32, #tpu.memory_space<hbm>>
        %dma_wait3A_1058 = arith.constant 0 : i32
        %dma_wait3A_1059 = tpu.memref_slice %arg4[%add3A_1049, %select_n3A_1044, %dma_wait3A_1058] : memref<16384x26x16xf32, #tpu.memory_space<hbm>> -> memref<128x1x16xf32, #tpu.memory_space<hbm>>
        %dma_wait3A_1060 = tpu.memref_squeeze %dma_wait3A_1059 : memref<128x1x16xf32, #tpu.memory_space<hbm>> -> memref<128x16xf32, #tpu.memory_space<hbm>>
        %dma_wait3A_1061 = arith.constant 0 : i32
        %dma_wait3A_1062 = arith.constant 0 : i32
        %dma_wait3A_1063 = tpu.memref_slice %arg6[%dma_wait3A_1050, %dma_wait3A_1061, %dma_wait3A_1062] : memref<8x128x16xf32, #tpu.memory_space<vmem>> -> memref<1x128x16xf32, #tpu.memory_space<vmem>>
        %dma_wait3A_1064 = tpu.memref_squeeze %dma_wait3A_1063 : memref<1x128x16xf32, #tpu.memory_space<vmem>> -> memref<128x16xf32, #tpu.memory_space<vmem>>
        tpu.wait_dma2 semaphore(%arg21 : memref<!tpu.dma_semaphore, #tpu.memory_space<semaphore_mem>>) src(%dma_wait3A_1064 : memref<128x16xf32, #tpu.memory_space<vmem>>) dst(%dma_wait3A_1060 : memref<128x16xf32, #tpu.memory_space<hbm>>)
      } else {
      }
      %lt3A_443 = arith.constant 104 : i32
      %lt3A_444 = arith.cmpi slt, %add3A_434, %lt3A_443 : i32
      %convert_element_type3A_445 = arith.extui %lt3A_444 : i1 to i32
      %cond3A_446 = arith.constant 0 : i32
      %cond3A_447 = arith.cmpi ne, %convert_element_type3A_445, %cond3A_446 : i32
      scf.if %cond3A_447 {
        %jit3A_1019 = arith.constant 4 : i32
        %div3A_1020 = arith.divsi %add3A_434, %jit3A_1019 : i32
        %sign3A_1021 = arith.constant 0 : i32
        %sign3A_1022 = arith.cmpi sgt, %add3A_434, %sign3A_1021 : i32
        %sign3A_1023 = arith.extui %sign3A_1022 : i1 to i32
        %sign3A_1024 = arith.constant 0 : i32
        %sign3A_1025 = arith.cmpi slt, %add3A_434, %sign3A_1024 : i32
        %sign3A_1026 = arith.extui %sign3A_1025 : i1 to i32
        %sign3A_1027 = arith.subi %sign3A_1023, %sign3A_1026 : i32
        %sign3A_1028 = arith.constant 0 : i32
        %sign3A_1029 = arith.cmpi sgt, %jit3A_1019, %sign3A_1028 : i32
        %sign3A_1030 = arith.extui %sign3A_1029 : i1 to i32
        %sign3A_1031 = arith.constant 0 : i32
        %sign3A_1032 = arith.cmpi slt, %jit3A_1019, %sign3A_1031 : i32
        %sign3A_1033 = arith.extui %sign3A_1032 : i1 to i32
        %sign3A_1034 = arith.subi %sign3A_1030, %sign3A_1033 : i32
        %ne3A_1035 = arith.cmpi ne, %sign3A_1027, %sign3A_1034 : i32
        %rem3A_1036 = arith.remsi %add3A_434, %jit3A_1019 : i32
        %ne3A_1037 = arith.constant 0 : i32
        %ne3A_1038 = arith.cmpi ne, %rem3A_1036, %ne3A_1037 : i32
        %and3A_1039 = arith.andi %ne3A_1035, %ne3A_1038 : i1
        %sub3A_1040 = arith.constant 1 : i32
        %sub3A_1041 = arith.subi %div3A_1020, %sub3A_1040 : i32
        %select_n3A_1042 = arith.select %and3A_1039, %sub3A_1041, %div3A_1020 : i32
        %rem3A_1043 = arith.constant 4 : i32
        %rem3A_1044 = arith.remsi %add3A_434, %rem3A_1043 : i32
        %dma_start3A_1045 = arith.constant 6 : i32
        %dma_start3A_1046 = arith.constant 0 : i32
        %dma_start3A_1047 = arith.constant 0 : i32
        %dma_start3A_1048 = tpu.memref_slice %arg6[%dma_start3A_1045, %dma_start3A_1046, %dma_start3A_1047] : memref<8x128x16xf32, #tpu.memory_space<vmem>> -> memref<1x128x16xf32, #tpu.memory_space<vmem>>
        %dma_start3A_1049 = tpu.memref_squeeze %dma_start3A_1048 : memref<1x128x16xf32, #tpu.memory_space<vmem>> -> memref<128x16xf32, #tpu.memory_space<vmem>>
        %dma_start3A_1050 = arith.constant 0 : i32
        %dma_start3A_1051 = tpu.memref_slice %arg5[%select_n3A_1042, %rem3A_1044, %dma_start3A_1050] : memref<26x4x128xi32, #tpu.memory_space<vmem>> -> memref<1x1x128xi32, #tpu.memory_space<vmem>>
        %dma_start3A_1052 = tpu.memref_squeeze %dma_start3A_1051 : memref<1x1x128xi32, #tpu.memory_space<vmem>> -> memref<128xi32, #tpu.memory_space<vmem>>
        %dma_start3A_1053 = arith.constant 0 : i32
        %dma_start3A_1054 = arith.constant 0 : i32
        %dma_start3A_1055 = tpu.memref_slice %arg3[%dma_start3A_1053, %dma_start3A_1054] : memref<2600000x16xf32, #tpu.memory_space<hbm>> -> memref<2600000x16xf32, #tpu.memory_space<hbm>>
        tpu.enqueue_indirect_dma source(%dma_start3A_1055 : memref<2600000x16xf32, #tpu.memory_space<hbm>>) target(%dma_start3A_1049 : memref<128x16xf32, #tpu.memory_space<vmem>>) offsets(%dma_start3A_1052 : memref<128xi32, #tpu.memory_space<vmem>>) semaphore(%arg13 : memref<!tpu.dma_semaphore, #tpu.memory_space<semaphore_mem>>)
      } else {
      }
      %jit3A_448 = arith.constant 4 : i32
      %div3A_449 = arith.divsi %add3A_432, %jit3A_448 : i32
      %sign3A_450 = arith.constant 0 : i32
      %sign3A_451 = arith.cmpi sgt, %add3A_432, %sign3A_450 : i32
      %sign3A_452 = arith.extui %sign3A_451 : i1 to i32
      %sign3A_453 = arith.constant 0 : i32
      %sign3A_454 = arith.cmpi slt, %add3A_432, %sign3A_453 : i32
      %sign3A_455 = arith.extui %sign3A_454 : i1 to i32
      %sign3A_456 = arith.subi %sign3A_452, %sign3A_455 : i32
      %sign3A_457 = arith.constant 0 : i32
      %sign3A_458 = arith.cmpi sgt, %jit3A_448, %sign3A_457 : i32
      %sign3A_459 = arith.extui %sign3A_458 : i1 to i32
      %sign3A_460 = arith.constant 0 : i32
      %sign3A_461 = arith.cmpi slt, %jit3A_448, %sign3A_460 : i32
      %sign3A_462 = arith.extui %sign3A_461 : i1 to i32
      %sign3A_463 = arith.subi %sign3A_459, %sign3A_462 : i32
      %ne3A_464 = arith.cmpi ne, %sign3A_456, %sign3A_463 : i32
      %rem3A_465 = arith.remsi %add3A_432, %jit3A_448 : i32
      %ne3A_466 = arith.constant 0 : i32
      %ne3A_467 = arith.cmpi ne, %rem3A_465, %ne3A_466 : i32
      %and3A_468 = arith.andi %ne3A_464, %ne3A_467 : i1
      %sub3A_469 = arith.constant 1 : i32
      %sub3A_470 = arith.subi %div3A_449, %sub3A_469 : i32
      %select_n3A_471 = arith.select %and3A_468, %sub3A_470, %div3A_449 : i32
      %rem3A_472 = arith.constant 4 : i32
      %rem3A_473 = arith.remsi %add3A_432, %rem3A_472 : i32
      %dma_wait3A_474 = arith.constant 2 : i32
      %dma_wait3A_475 = arith.constant 0 : i32
      %dma_wait3A_476 = arith.constant 0 : i32
      %dma_wait3A_477 = tpu.memref_slice %arg6[%dma_wait3A_474, %dma_wait3A_475, %dma_wait3A_476] : memref<8x128x16xf32, #tpu.memory_space<vmem>> -> memref<1x128x16xf32, #tpu.memory_space<vmem>>
      %dma_wait3A_478 = tpu.memref_squeeze %dma_wait3A_477 : memref<1x128x16xf32, #tpu.memory_space<vmem>> -> memref<128x16xf32, #tpu.memory_space<vmem>>
      %dma_wait3A_479 = arith.constant 0 : i32
      %dma_wait3A_480 = tpu.memref_slice %arg5[%select_n3A_471, %rem3A_473, %dma_wait3A_479] : memref<26x4x128xi32, #tpu.memory_space<vmem>> -> memref<1x1x128xi32, #tpu.memory_space<vmem>>
      %dma_wait3A_481 = tpu.memref_squeeze %dma_wait3A_480 : memref<1x1x128xi32, #tpu.memory_space<vmem>> -> memref<128xi32, #tpu.memory_space<vmem>>
      %dma_wait3A_482 = arith.constant 0 : i32
      %dma_wait3A_483 = arith.constant 0 : i32
      %dma_wait3A_484 = tpu.memref_slice %arg3[%dma_wait3A_482, %dma_wait3A_483] : memref<2600000x16xf32, #tpu.memory_space<hbm>> -> memref<2600000x16xf32, #tpu.memory_space<hbm>>
      tpu.wait_indirect_dma semaphore(%arg9 : memref<!tpu.dma_semaphore, #tpu.memory_space<semaphore_mem>>) src(%dma_wait3A_484 : memref<2600000x16xf32, #tpu.memory_space<hbm>>) dst(%dma_wait3A_478 : memref<128x16xf32, #tpu.memory_space<vmem>>)
      %jit3A_485 = arith.constant 4 : i32
      %div3A_486 = arith.divsi %add3A_432, %jit3A_485 : i32
      %sign3A_487 = arith.constant 0 : i32
      %sign3A_488 = arith.cmpi sgt, %add3A_432, %sign3A_487 : i32
      %sign3A_489 = arith.extui %sign3A_488 : i1 to i32
      %sign3A_490 = arith.constant 0 : i32
      %sign3A_491 = arith.cmpi slt, %add3A_432, %sign3A_490 : i32
      %sign3A_492 = arith.extui %sign3A_491 : i1 to i32
      %sign3A_493 = arith.subi %sign3A_489, %sign3A_492 : i32
      %sign3A_494 = arith.constant 0 : i32
      %sign3A_495 = arith.cmpi sgt, %jit3A_485, %sign3A_494 : i32
      %sign3A_496 = arith.extui %sign3A_495 : i1 to i32
      %sign3A_497 = arith.constant 0 : i32
      %sign3A_498 = arith.cmpi slt, %jit3A_485, %sign3A_497 : i32
      %sign3A_499 = arith.extui %sign3A_498 : i1 to i32
      %sign3A_500 = arith.subi %sign3A_496, %sign3A_499 : i32
      %ne3A_501 = arith.cmpi ne, %sign3A_493, %sign3A_500 : i32
      %rem3A_502 = arith.remsi %add3A_432, %jit3A_485 : i32
      %ne3A_503 = arith.constant 0 : i32
      %ne3A_504 = arith.cmpi ne, %rem3A_502, %ne3A_503 : i32
      %and3A_505 = arith.andi %ne3A_501, %ne3A_504 : i1
      %sub3A_506 = arith.constant 1 : i32
      %sub3A_507 = arith.subi %div3A_486, %sub3A_506 : i32
      %select_n3A_508 = arith.select %and3A_505, %sub3A_507, %div3A_486 : i32
      %rem3A_509 = arith.constant 4 : i32
      %rem3A_510 = arith.remsi %add3A_432, %rem3A_509 : i32
      %mul3A_511 = arith.constant 128 : i32
      %mul3A_512 = arith.muli %rem3A_510, %mul3A_511 : i32
      %add3A_513 = arith.addi %mul3A_2, %mul3A_512 : i32
      %dma_start3A_514 = arith.constant 2 : i32
      %dma_start3A_515 = arith.constant 0 : i32
      %dma_start3A_516 = arith.constant 0 : i32
      %dma_start3A_517 = tpu.memref_slice %arg6[%dma_start3A_514, %dma_start3A_515, %dma_start3A_516] : memref<8x128x16xf32, #tpu.memory_space<vmem>> -> memref<1x128x16xf32, #tpu.memory_space<vmem>>
      %dma_start3A_518 = tpu.memref_squeeze %dma_start3A_517 : memref<1x128x16xf32, #tpu.memory_space<vmem>> -> memref<128x16xf32, #tpu.memory_space<vmem>>
      %dma_start3A_519 = arith.constant 0 : i32
      %dma_start3A_520 = tpu.memref_slice %arg4[%add3A_513, %select_n3A_508, %dma_start3A_519] : memref<16384x26x16xf32, #tpu.memory_space<hbm>> -> memref<128x1x16xf32, #tpu.memory_space<hbm>>
      %dma_start3A_521 = tpu.memref_squeeze %dma_start3A_520 : memref<128x1x16xf32, #tpu.memory_space<hbm>> -> memref<128x16xf32, #tpu.memory_space<hbm>>
      %dma_start3A_522 = arith.constant 0 : i32
      %dma_start3A_523 = tpu.memref_slice %arg4[%add3A_513, %select_n3A_508, %dma_start3A_522] : memref<16384x26x16xf32, #tpu.memory_space<hbm>> -> memref<128x1x16xf32, #tpu.memory_space<hbm>>
      %dma_start3A_524 = tpu.memref_squeeze %dma_start3A_523 : memref<128x1x16xf32, #tpu.memory_space<hbm>> -> memref<128x16xf32, #tpu.memory_space<hbm>>
      %dma_start3A_525 = arith.constant 0 : i32
      %dma_start3A_526 = arith.constant 0 : i32
      %dma_start3A_527 = tpu.memref_slice %arg6[%dma_start3A_514, %dma_start3A_525, %dma_start3A_526] : memref<8x128x16xf32, #tpu.memory_space<vmem>> -> memref<1x128x16xf32, #tpu.memory_space<vmem>>
      %dma_start3A_528 = tpu.memref_squeeze %dma_start3A_527 : memref<1x128x16xf32, #tpu.memory_space<vmem>> -> memref<128x16xf32, #tpu.memory_space<vmem>>
      tpu.enqueue_dma source(%dma_start3A_528 : memref<128x16xf32, #tpu.memory_space<vmem>>) target(%dma_start3A_524 : memref<128x16xf32, #tpu.memory_space<hbm>>) target_semaphore(%arg17 : memref<!tpu.dma_semaphore, #tpu.memory_space<semaphore_mem>>)
      %add3A_529 = arith.constant 3 : i32
      %add3A_530 = arith.addi %mul3A_245, %add3A_529 : i32
      %add3A_531 = arith.constant 4 : i32
      %add3A_532 = arith.addi %add3A_530, %add3A_531 : i32
      %ge3A_533 = arith.constant 8 : i32
      %ge3A_534 = arith.cmpi sge, %add3A_532, %ge3A_533 : i32
      %lt3A_535 = arith.constant 104 : i32
      %lt3A_536 = arith.cmpi slt, %add3A_532, %lt3A_535 : i32
      %and3A_537 = arith.andi %ge3A_534, %lt3A_536 : i1
      %convert_element_type3A_538 = arith.extui %and3A_537 : i1 to i32
      %cond3A_539 = arith.constant 0 : i32
      %cond3A_540 = arith.cmpi ne, %convert_element_type3A_538, %cond3A_539 : i32
      scf.if %cond3A_540 {
        %sub3A_1019 = arith.constant 8 : i32
        %sub3A_1020 = arith.subi %add3A_532, %sub3A_1019 : i32
        %jit3A_1021 = arith.constant 4 : i32
        %div3A_1022 = arith.divsi %sub3A_1020, %jit3A_1021 : i32
        %sign3A_1023 = arith.constant 0 : i32
        %sign3A_1024 = arith.cmpi sgt, %sub3A_1020, %sign3A_1023 : i32
        %sign3A_1025 = arith.extui %sign3A_1024 : i1 to i32
        %sign3A_1026 = arith.constant 0 : i32
        %sign3A_1027 = arith.cmpi slt, %sub3A_1020, %sign3A_1026 : i32
        %sign3A_1028 = arith.extui %sign3A_1027 : i1 to i32
        %sign3A_1029 = arith.subi %sign3A_1025, %sign3A_1028 : i32
        %sign3A_1030 = arith.constant 0 : i32
        %sign3A_1031 = arith.cmpi sgt, %jit3A_1021, %sign3A_1030 : i32
        %sign3A_1032 = arith.extui %sign3A_1031 : i1 to i32
        %sign3A_1033 = arith.constant 0 : i32
        %sign3A_1034 = arith.cmpi slt, %jit3A_1021, %sign3A_1033 : i32
        %sign3A_1035 = arith.extui %sign3A_1034 : i1 to i32
        %sign3A_1036 = arith.subi %sign3A_1032, %sign3A_1035 : i32
        %ne3A_1037 = arith.cmpi ne, %sign3A_1029, %sign3A_1036 : i32
        %rem3A_1038 = arith.remsi %sub3A_1020, %jit3A_1021 : i32
        %ne3A_1039 = arith.constant 0 : i32
        %ne3A_1040 = arith.cmpi ne, %rem3A_1038, %ne3A_1039 : i32
        %and3A_1041 = arith.andi %ne3A_1037, %ne3A_1040 : i1
        %sub3A_1042 = arith.constant 1 : i32
        %sub3A_1043 = arith.subi %div3A_1022, %sub3A_1042 : i32
        %select_n3A_1044 = arith.select %and3A_1041, %sub3A_1043, %div3A_1022 : i32
        %rem3A_1045 = arith.constant 4 : i32
        %rem3A_1046 = arith.remsi %sub3A_1020, %rem3A_1045 : i32
        %mul3A_1047 = arith.constant 128 : i32
        %mul3A_1048 = arith.muli %rem3A_1046, %mul3A_1047 : i32
        %add3A_1049 = arith.addi %mul3A_2, %mul3A_1048 : i32
        %dma_wait3A_1050 = arith.constant 7 : i32
        %dma_wait3A_1051 = arith.constant 0 : i32
        %dma_wait3A_1052 = arith.constant 0 : i32
        %dma_wait3A_1053 = tpu.memref_slice %arg6[%dma_wait3A_1050, %dma_wait3A_1051, %dma_wait3A_1052] : memref<8x128x16xf32, #tpu.memory_space<vmem>> -> memref<1x128x16xf32, #tpu.memory_space<vmem>>
        %dma_wait3A_1054 = tpu.memref_squeeze %dma_wait3A_1053 : memref<1x128x16xf32, #tpu.memory_space<vmem>> -> memref<128x16xf32, #tpu.memory_space<vmem>>
        %dma_wait3A_1055 = arith.constant 0 : i32
        %dma_wait3A_1056 = tpu.memref_slice %arg4[%add3A_1049, %select_n3A_1044, %dma_wait3A_1055] : memref<16384x26x16xf32, #tpu.memory_space<hbm>> -> memref<128x1x16xf32, #tpu.memory_space<hbm>>
        %dma_wait3A_1057 = tpu.memref_squeeze %dma_wait3A_1056 : memref<128x1x16xf32, #tpu.memory_space<hbm>> -> memref<128x16xf32, #tpu.memory_space<hbm>>
        %dma_wait3A_1058 = arith.constant 0 : i32
        %dma_wait3A_1059 = tpu.memref_slice %arg4[%add3A_1049, %select_n3A_1044, %dma_wait3A_1058] : memref<16384x26x16xf32, #tpu.memory_space<hbm>> -> memref<128x1x16xf32, #tpu.memory_space<hbm>>
        %dma_wait3A_1060 = tpu.memref_squeeze %dma_wait3A_1059 : memref<128x1x16xf32, #tpu.memory_space<hbm>> -> memref<128x16xf32, #tpu.memory_space<hbm>>
        %dma_wait3A_1061 = arith.constant 0 : i32
        %dma_wait3A_1062 = arith.constant 0 : i32
        %dma_wait3A_1063 = tpu.memref_slice %arg6[%dma_wait3A_1050, %dma_wait3A_1061, %dma_wait3A_1062] : memref<8x128x16xf32, #tpu.memory_space<vmem>> -> memref<1x128x16xf32, #tpu.memory_space<vmem>>
        %dma_wait3A_1064 = tpu.memref_squeeze %dma_wait3A_1063 : memref<1x128x16xf32, #tpu.memory_space<vmem>> -> memref<128x16xf32, #tpu.memory_space<vmem>>
        tpu.wait_dma2 semaphore(%arg22 : memref<!tpu.dma_semaphore, #tpu.memory_space<semaphore_mem>>) src(%dma_wait3A_1064 : memref<128x16xf32, #tpu.memory_space<vmem>>) dst(%dma_wait3A_1060 : memref<128x16xf32, #tpu.memory_space<hbm>>)
      } else {
      }
      %lt3A_541 = arith.constant 104 : i32
      %lt3A_542 = arith.cmpi slt, %add3A_532, %lt3A_541 : i32
      %convert_element_type3A_543 = arith.extui %lt3A_542 : i1 to i32
      %cond3A_544 = arith.constant 0 : i32
      %cond3A_545 = arith.cmpi ne, %convert_element_type3A_543, %cond3A_544 : i32
      scf.if %cond3A_545 {
        %jit3A_1019 = arith.constant 4 : i32
        %div3A_1020 = arith.divsi %add3A_532, %jit3A_1019 : i32
        %sign3A_1021 = arith.constant 0 : i32
        %sign3A_1022 = arith.cmpi sgt, %add3A_532, %sign3A_1021 : i32
        %sign3A_1023 = arith.extui %sign3A_1022 : i1 to i32
        %sign3A_1024 = arith.constant 0 : i32
        %sign3A_1025 = arith.cmpi slt, %add3A_532, %sign3A_1024 : i32
        %sign3A_1026 = arith.extui %sign3A_1025 : i1 to i32
        %sign3A_1027 = arith.subi %sign3A_1023, %sign3A_1026 : i32
        %sign3A_1028 = arith.constant 0 : i32
        %sign3A_1029 = arith.cmpi sgt, %jit3A_1019, %sign3A_1028 : i32
        %sign3A_1030 = arith.extui %sign3A_1029 : i1 to i32
        %sign3A_1031 = arith.constant 0 : i32
        %sign3A_1032 = arith.cmpi slt, %jit3A_1019, %sign3A_1031 : i32
        %sign3A_1033 = arith.extui %sign3A_1032 : i1 to i32
        %sign3A_1034 = arith.subi %sign3A_1030, %sign3A_1033 : i32
        %ne3A_1035 = arith.cmpi ne, %sign3A_1027, %sign3A_1034 : i32
        %rem3A_1036 = arith.remsi %add3A_532, %jit3A_1019 : i32
        %ne3A_1037 = arith.constant 0 : i32
        %ne3A_1038 = arith.cmpi ne, %rem3A_1036, %ne3A_1037 : i32
        %and3A_1039 = arith.andi %ne3A_1035, %ne3A_1038 : i1
        %sub3A_1040 = arith.constant 1 : i32
        %sub3A_1041 = arith.subi %div3A_1020, %sub3A_1040 : i32
        %select_n3A_1042 = arith.select %and3A_1039, %sub3A_1041, %div3A_1020 : i32
        %rem3A_1043 = arith.constant 4 : i32
        %rem3A_1044 = arith.remsi %add3A_532, %rem3A_1043 : i32
        %dma_start3A_1045 = arith.constant 7 : i32
        %dma_start3A_1046 = arith.constant 0 : i32
        %dma_start3A_1047 = arith.constant 0 : i32
        %dma_start3A_1048 = tpu.memref_slice %arg6[%dma_start3A_1045, %dma_start3A_1046, %dma_start3A_1047] : memref<8x128x16xf32, #tpu.memory_space<vmem>> -> memref<1x128x16xf32, #tpu.memory_space<vmem>>
        %dma_start3A_1049 = tpu.memref_squeeze %dma_start3A_1048 : memref<1x128x16xf32, #tpu.memory_space<vmem>> -> memref<128x16xf32, #tpu.memory_space<vmem>>
        %dma_start3A_1050 = arith.constant 0 : i32
        %dma_start3A_1051 = tpu.memref_slice %arg5[%select_n3A_1042, %rem3A_1044, %dma_start3A_1050] : memref<26x4x128xi32, #tpu.memory_space<vmem>> -> memref<1x1x128xi32, #tpu.memory_space<vmem>>
        %dma_start3A_1052 = tpu.memref_squeeze %dma_start3A_1051 : memref<1x1x128xi32, #tpu.memory_space<vmem>> -> memref<128xi32, #tpu.memory_space<vmem>>
        %dma_start3A_1053 = arith.constant 0 : i32
        %dma_start3A_1054 = arith.constant 0 : i32
        %dma_start3A_1055 = tpu.memref_slice %arg3[%dma_start3A_1053, %dma_start3A_1054] : memref<2600000x16xf32, #tpu.memory_space<hbm>> -> memref<2600000x16xf32, #tpu.memory_space<hbm>>
        tpu.enqueue_indirect_dma source(%dma_start3A_1055 : memref<2600000x16xf32, #tpu.memory_space<hbm>>) target(%dma_start3A_1049 : memref<128x16xf32, #tpu.memory_space<vmem>>) offsets(%dma_start3A_1052 : memref<128xi32, #tpu.memory_space<vmem>>) semaphore(%arg14 : memref<!tpu.dma_semaphore, #tpu.memory_space<semaphore_mem>>)
      } else {
      }
      %jit3A_546 = arith.constant 4 : i32
      %div3A_547 = arith.divsi %add3A_530, %jit3A_546 : i32
      %sign3A_548 = arith.constant 0 : i32
      %sign3A_549 = arith.cmpi sgt, %add3A_530, %sign3A_548 : i32
      %sign3A_550 = arith.extui %sign3A_549 : i1 to i32
      %sign3A_551 = arith.constant 0 : i32
      %sign3A_552 = arith.cmpi slt, %add3A_530, %sign3A_551 : i32
      %sign3A_553 = arith.extui %sign3A_552 : i1 to i32
      %sign3A_554 = arith.subi %sign3A_550, %sign3A_553 : i32
      %sign3A_555 = arith.constant 0 : i32
      %sign3A_556 = arith.cmpi sgt, %jit3A_546, %sign3A_555 : i32
      %sign3A_557 = arith.extui %sign3A_556 : i1 to i32
      %sign3A_558 = arith.constant 0 : i32
      %sign3A_559 = arith.cmpi slt, %jit3A_546, %sign3A_558 : i32
      %sign3A_560 = arith.extui %sign3A_559 : i1 to i32
      %sign3A_561 = arith.subi %sign3A_557, %sign3A_560 : i32
      %ne3A_562 = arith.cmpi ne, %sign3A_554, %sign3A_561 : i32
      %rem3A_563 = arith.remsi %add3A_530, %jit3A_546 : i32
      %ne3A_564 = arith.constant 0 : i32
      %ne3A_565 = arith.cmpi ne, %rem3A_563, %ne3A_564 : i32
      %and3A_566 = arith.andi %ne3A_562, %ne3A_565 : i1
      %sub3A_567 = arith.constant 1 : i32
      %sub3A_568 = arith.subi %div3A_547, %sub3A_567 : i32
      %select_n3A_569 = arith.select %and3A_566, %sub3A_568, %div3A_547 : i32
      %rem3A_570 = arith.constant 4 : i32
      %rem3A_571 = arith.remsi %add3A_530, %rem3A_570 : i32
      %dma_wait3A_572 = arith.constant 3 : i32
      %dma_wait3A_573 = arith.constant 0 : i32
      %dma_wait3A_574 = arith.constant 0 : i32
      %dma_wait3A_575 = tpu.memref_slice %arg6[%dma_wait3A_572, %dma_wait3A_573, %dma_wait3A_574] : memref<8x128x16xf32, #tpu.memory_space<vmem>> -> memref<1x128x16xf32, #tpu.memory_space<vmem>>
      %dma_wait3A_576 = tpu.memref_squeeze %dma_wait3A_575 : memref<1x128x16xf32, #tpu.memory_space<vmem>> -> memref<128x16xf32, #tpu.memory_space<vmem>>
      %dma_wait3A_577 = arith.constant 0 : i32
      %dma_wait3A_578 = tpu.memref_slice %arg5[%select_n3A_569, %rem3A_571, %dma_wait3A_577] : memref<26x4x128xi32, #tpu.memory_space<vmem>> -> memref<1x1x128xi32, #tpu.memory_space<vmem>>
      %dma_wait3A_579 = tpu.memref_squeeze %dma_wait3A_578 : memref<1x1x128xi32, #tpu.memory_space<vmem>> -> memref<128xi32, #tpu.memory_space<vmem>>
      %dma_wait3A_580 = arith.constant 0 : i32
      %dma_wait3A_581 = arith.constant 0 : i32
      %dma_wait3A_582 = tpu.memref_slice %arg3[%dma_wait3A_580, %dma_wait3A_581] : memref<2600000x16xf32, #tpu.memory_space<hbm>> -> memref<2600000x16xf32, #tpu.memory_space<hbm>>
      tpu.wait_indirect_dma semaphore(%arg10 : memref<!tpu.dma_semaphore, #tpu.memory_space<semaphore_mem>>) src(%dma_wait3A_582 : memref<2600000x16xf32, #tpu.memory_space<hbm>>) dst(%dma_wait3A_576 : memref<128x16xf32, #tpu.memory_space<vmem>>)
      %jit3A_583 = arith.constant 4 : i32
      %div3A_584 = arith.divsi %add3A_530, %jit3A_583 : i32
      %sign3A_585 = arith.constant 0 : i32
      %sign3A_586 = arith.cmpi sgt, %add3A_530, %sign3A_585 : i32
      %sign3A_587 = arith.extui %sign3A_586 : i1 to i32
      %sign3A_588 = arith.constant 0 : i32
      %sign3A_589 = arith.cmpi slt, %add3A_530, %sign3A_588 : i32
      %sign3A_590 = arith.extui %sign3A_589 : i1 to i32
      %sign3A_591 = arith.subi %sign3A_587, %sign3A_590 : i32
      %sign3A_592 = arith.constant 0 : i32
      %sign3A_593 = arith.cmpi sgt, %jit3A_583, %sign3A_592 : i32
      %sign3A_594 = arith.extui %sign3A_593 : i1 to i32
      %sign3A_595 = arith.constant 0 : i32
      %sign3A_596 = arith.cmpi slt, %jit3A_583, %sign3A_595 : i32
      %sign3A_597 = arith.extui %sign3A_596 : i1 to i32
      %sign3A_598 = arith.subi %sign3A_594, %sign3A_597 : i32
      %ne3A_599 = arith.cmpi ne, %sign3A_591, %sign3A_598 : i32
      %rem3A_600 = arith.remsi %add3A_530, %jit3A_583 : i32
      %ne3A_601 = arith.constant 0 : i32
      %ne3A_602 = arith.cmpi ne, %rem3A_600, %ne3A_601 : i32
      %and3A_603 = arith.andi %ne3A_599, %ne3A_602 : i1
      %sub3A_604 = arith.constant 1 : i32
      %sub3A_605 = arith.subi %div3A_584, %sub3A_604 : i32
      %select_n3A_606 = arith.select %and3A_603, %sub3A_605, %div3A_584 : i32
      %rem3A_607 = arith.constant 4 : i32
      %rem3A_608 = arith.remsi %add3A_530, %rem3A_607 : i32
      %mul3A_609 = arith.constant 128 : i32
      %mul3A_610 = arith.muli %rem3A_608, %mul3A_609 : i32
      %add3A_611 = arith.addi %mul3A_2, %mul3A_610 : i32
      %dma_start3A_612 = arith.constant 3 : i32
      %dma_start3A_613 = arith.constant 0 : i32
      %dma_start3A_614 = arith.constant 0 : i32
      %dma_start3A_615 = tpu.memref_slice %arg6[%dma_start3A_612, %dma_start3A_613, %dma_start3A_614] : memref<8x128x16xf32, #tpu.memory_space<vmem>> -> memref<1x128x16xf32, #tpu.memory_space<vmem>>
      %dma_start3A_616 = tpu.memref_squeeze %dma_start3A_615 : memref<1x128x16xf32, #tpu.memory_space<vmem>> -> memref<128x16xf32, #tpu.memory_space<vmem>>
      %dma_start3A_617 = arith.constant 0 : i32
      %dma_start3A_618 = tpu.memref_slice %arg4[%add3A_611, %select_n3A_606, %dma_start3A_617] : memref<16384x26x16xf32, #tpu.memory_space<hbm>> -> memref<128x1x16xf32, #tpu.memory_space<hbm>>
      %dma_start3A_619 = tpu.memref_squeeze %dma_start3A_618 : memref<128x1x16xf32, #tpu.memory_space<hbm>> -> memref<128x16xf32, #tpu.memory_space<hbm>>
      %dma_start3A_620 = arith.constant 0 : i32
      %dma_start3A_621 = tpu.memref_slice %arg4[%add3A_611, %select_n3A_606, %dma_start3A_620] : memref<16384x26x16xf32, #tpu.memory_space<hbm>> -> memref<128x1x16xf32, #tpu.memory_space<hbm>>
      %dma_start3A_622 = tpu.memref_squeeze %dma_start3A_621 : memref<128x1x16xf32, #tpu.memory_space<hbm>> -> memref<128x16xf32, #tpu.memory_space<hbm>>
      %dma_start3A_623 = arith.constant 0 : i32
      %dma_start3A_624 = arith.constant 0 : i32
      %dma_start3A_625 = tpu.memref_slice %arg6[%dma_start3A_612, %dma_start3A_623, %dma_start3A_624] : memref<8x128x16xf32, #tpu.memory_space<vmem>> -> memref<1x128x16xf32, #tpu.memory_space<vmem>>
      %dma_start3A_626 = tpu.memref_squeeze %dma_start3A_625 : memref<1x128x16xf32, #tpu.memory_space<vmem>> -> memref<128x16xf32, #tpu.memory_space<vmem>>
      tpu.enqueue_dma source(%dma_start3A_626 : memref<128x16xf32, #tpu.memory_space<vmem>>) target(%dma_start3A_622 : memref<128x16xf32, #tpu.memory_space<hbm>>) target_semaphore(%arg18 : memref<!tpu.dma_semaphore, #tpu.memory_space<semaphore_mem>>)
      %add3A_627 = arith.constant 4 : i32
      %add3A_628 = arith.addi %mul3A_245, %add3A_627 : i32
      %add3A_629 = arith.constant 4 : i32
      %add3A_630 = arith.addi %add3A_628, %add3A_629 : i32
      %ge3A_631 = arith.constant 8 : i32
      %ge3A_632 = arith.cmpi sge, %add3A_630, %ge3A_631 : i32
      %lt3A_633 = arith.constant 104 : i32
      %lt3A_634 = arith.cmpi slt, %add3A_630, %lt3A_633 : i32
      %and3A_635 = arith.andi %ge3A_632, %lt3A_634 : i1
      %convert_element_type3A_636 = arith.extui %and3A_635 : i1 to i32
      %cond3A_637 = arith.constant 0 : i32
      %cond3A_638 = arith.cmpi ne, %convert_element_type3A_636, %cond3A_637 : i32
      scf.if %cond3A_638 {
        %sub3A_1019 = arith.constant 8 : i32
        %sub3A_1020 = arith.subi %add3A_630, %sub3A_1019 : i32
        %jit3A_1021 = arith.constant 4 : i32
        %div3A_1022 = arith.divsi %sub3A_1020, %jit3A_1021 : i32
        %sign3A_1023 = arith.constant 0 : i32
        %sign3A_1024 = arith.cmpi sgt, %sub3A_1020, %sign3A_1023 : i32
        %sign3A_1025 = arith.extui %sign3A_1024 : i1 to i32
        %sign3A_1026 = arith.constant 0 : i32
        %sign3A_1027 = arith.cmpi slt, %sub3A_1020, %sign3A_1026 : i32
        %sign3A_1028 = arith.extui %sign3A_1027 : i1 to i32
        %sign3A_1029 = arith.subi %sign3A_1025, %sign3A_1028 : i32
        %sign3A_1030 = arith.constant 0 : i32
        %sign3A_1031 = arith.cmpi sgt, %jit3A_1021, %sign3A_1030 : i32
        %sign3A_1032 = arith.extui %sign3A_1031 : i1 to i32
        %sign3A_1033 = arith.constant 0 : i32
        %sign3A_1034 = arith.cmpi slt, %jit3A_1021, %sign3A_1033 : i32
        %sign3A_1035 = arith.extui %sign3A_1034 : i1 to i32
        %sign3A_1036 = arith.subi %sign3A_1032, %sign3A_1035 : i32
        %ne3A_1037 = arith.cmpi ne, %sign3A_1029, %sign3A_1036 : i32
        %rem3A_1038 = arith.remsi %sub3A_1020, %jit3A_1021 : i32
        %ne3A_1039 = arith.constant 0 : i32
        %ne3A_1040 = arith.cmpi ne, %rem3A_1038, %ne3A_1039 : i32
        %and3A_1041 = arith.andi %ne3A_1037, %ne3A_1040 : i1
        %sub3A_1042 = arith.constant 1 : i32
        %sub3A_1043 = arith.subi %div3A_1022, %sub3A_1042 : i32
        %select_n3A_1044 = arith.select %and3A_1041, %sub3A_1043, %div3A_1022 : i32
        %rem3A_1045 = arith.constant 4 : i32
        %rem3A_1046 = arith.remsi %sub3A_1020, %rem3A_1045 : i32
        %mul3A_1047 = arith.constant 128 : i32
        %mul3A_1048 = arith.muli %rem3A_1046, %mul3A_1047 : i32
        %add3A_1049 = arith.addi %mul3A_2, %mul3A_1048 : i32
        %dma_wait3A_1050 = arith.constant 0 : i32
        %dma_wait3A_1051 = arith.constant 0 : i32
        %dma_wait3A_1052 = arith.constant 0 : i32
        %dma_wait3A_1053 = tpu.memref_slice %arg6[%dma_wait3A_1050, %dma_wait3A_1051, %dma_wait3A_1052] : memref<8x128x16xf32, #tpu.memory_space<vmem>> -> memref<1x128x16xf32, #tpu.memory_space<vmem>>
        %dma_wait3A_1054 = tpu.memref_squeeze %dma_wait3A_1053 : memref<1x128x16xf32, #tpu.memory_space<vmem>> -> memref<128x16xf32, #tpu.memory_space<vmem>>
        %dma_wait3A_1055 = arith.constant 0 : i32
        %dma_wait3A_1056 = tpu.memref_slice %arg4[%add3A_1049, %select_n3A_1044, %dma_wait3A_1055] : memref<16384x26x16xf32, #tpu.memory_space<hbm>> -> memref<128x1x16xf32, #tpu.memory_space<hbm>>
        %dma_wait3A_1057 = tpu.memref_squeeze %dma_wait3A_1056 : memref<128x1x16xf32, #tpu.memory_space<hbm>> -> memref<128x16xf32, #tpu.memory_space<hbm>>
        %dma_wait3A_1058 = arith.constant 0 : i32
        %dma_wait3A_1059 = tpu.memref_slice %arg4[%add3A_1049, %select_n3A_1044, %dma_wait3A_1058] : memref<16384x26x16xf32, #tpu.memory_space<hbm>> -> memref<128x1x16xf32, #tpu.memory_space<hbm>>
        %dma_wait3A_1060 = tpu.memref_squeeze %dma_wait3A_1059 : memref<128x1x16xf32, #tpu.memory_space<hbm>> -> memref<128x16xf32, #tpu.memory_space<hbm>>
        %dma_wait3A_1061 = arith.constant 0 : i32
        %dma_wait3A_1062 = arith.constant 0 : i32
        %dma_wait3A_1063 = tpu.memref_slice %arg6[%dma_wait3A_1050, %dma_wait3A_1061, %dma_wait3A_1062] : memref<8x128x16xf32, #tpu.memory_space<vmem>> -> memref<1x128x16xf32, #tpu.memory_space<vmem>>
        %dma_wait3A_1064 = tpu.memref_squeeze %dma_wait3A_1063 : memref<1x128x16xf32, #tpu.memory_space<vmem>> -> memref<128x16xf32, #tpu.memory_space<vmem>>
        tpu.wait_dma2 semaphore(%arg15 : memref<!tpu.dma_semaphore, #tpu.memory_space<semaphore_mem>>) src(%dma_wait3A_1064 : memref<128x16xf32, #tpu.memory_space<vmem>>) dst(%dma_wait3A_1060 : memref<128x16xf32, #tpu.memory_space<hbm>>)
      } else {
      }
      %lt3A_639 = arith.constant 104 : i32
      %lt3A_640 = arith.cmpi slt, %add3A_630, %lt3A_639 : i32
      %convert_element_type3A_641 = arith.extui %lt3A_640 : i1 to i32
      %cond3A_642 = arith.constant 0 : i32
      %cond3A_643 = arith.cmpi ne, %convert_element_type3A_641, %cond3A_642 : i32
      scf.if %cond3A_643 {
        %jit3A_1019 = arith.constant 4 : i32
        %div3A_1020 = arith.divsi %add3A_630, %jit3A_1019 : i32
        %sign3A_1021 = arith.constant 0 : i32
        %sign3A_1022 = arith.cmpi sgt, %add3A_630, %sign3A_1021 : i32
        %sign3A_1023 = arith.extui %sign3A_1022 : i1 to i32
        %sign3A_1024 = arith.constant 0 : i32
        %sign3A_1025 = arith.cmpi slt, %add3A_630, %sign3A_1024 : i32
        %sign3A_1026 = arith.extui %sign3A_1025 : i1 to i32
        %sign3A_1027 = arith.subi %sign3A_1023, %sign3A_1026 : i32
        %sign3A_1028 = arith.constant 0 : i32
        %sign3A_1029 = arith.cmpi sgt, %jit3A_1019, %sign3A_1028 : i32
        %sign3A_1030 = arith.extui %sign3A_1029 : i1 to i32
        %sign3A_1031 = arith.constant 0 : i32
        %sign3A_1032 = arith.cmpi slt, %jit3A_1019, %sign3A_1031 : i32
        %sign3A_1033 = arith.extui %sign3A_1032 : i1 to i32
        %sign3A_1034 = arith.subi %sign3A_1030, %sign3A_1033 : i32
        %ne3A_1035 = arith.cmpi ne, %sign3A_1027, %sign3A_1034 : i32
        %rem3A_1036 = arith.remsi %add3A_630, %jit3A_1019 : i32
        %ne3A_1037 = arith.constant 0 : i32
        %ne3A_1038 = arith.cmpi ne, %rem3A_1036, %ne3A_1037 : i32
        %and3A_1039 = arith.andi %ne3A_1035, %ne3A_1038 : i1
        %sub3A_1040 = arith.constant 1 : i32
        %sub3A_1041 = arith.subi %div3A_1020, %sub3A_1040 : i32
        %select_n3A_1042 = arith.select %and3A_1039, %sub3A_1041, %div3A_1020 : i32
        %rem3A_1043 = arith.constant 4 : i32
        %rem3A_1044 = arith.remsi %add3A_630, %rem3A_1043 : i32
        %dma_start3A_1045 = arith.constant 0 : i32
        %dma_start3A_1046 = arith.constant 0 : i32
        %dma_start3A_1047 = arith.constant 0 : i32
        %dma_start3A_1048 = tpu.memref_slice %arg6[%dma_start3A_1045, %dma_start3A_1046, %dma_start3A_1047] : memref<8x128x16xf32, #tpu.memory_space<vmem>> -> memref<1x128x16xf32, #tpu.memory_space<vmem>>
        %dma_start3A_1049 = tpu.memref_squeeze %dma_start3A_1048 : memref<1x128x16xf32, #tpu.memory_space<vmem>> -> memref<128x16xf32, #tpu.memory_space<vmem>>
        %dma_start3A_1050 = arith.constant 0 : i32
        %dma_start3A_1051 = tpu.memref_slice %arg5[%select_n3A_1042, %rem3A_1044, %dma_start3A_1050] : memref<26x4x128xi32, #tpu.memory_space<vmem>> -> memref<1x1x128xi32, #tpu.memory_space<vmem>>
        %dma_start3A_1052 = tpu.memref_squeeze %dma_start3A_1051 : memref<1x1x128xi32, #tpu.memory_space<vmem>> -> memref<128xi32, #tpu.memory_space<vmem>>
        %dma_start3A_1053 = arith.constant 0 : i32
        %dma_start3A_1054 = arith.constant 0 : i32
        %dma_start3A_1055 = tpu.memref_slice %arg3[%dma_start3A_1053, %dma_start3A_1054] : memref<2600000x16xf32, #tpu.memory_space<hbm>> -> memref<2600000x16xf32, #tpu.memory_space<hbm>>
        tpu.enqueue_indirect_dma source(%dma_start3A_1055 : memref<2600000x16xf32, #tpu.memory_space<hbm>>) target(%dma_start3A_1049 : memref<128x16xf32, #tpu.memory_space<vmem>>) offsets(%dma_start3A_1052 : memref<128xi32, #tpu.memory_space<vmem>>) semaphore(%arg7 : memref<!tpu.dma_semaphore, #tpu.memory_space<semaphore_mem>>)
      } else {
      }
      %jit3A_644 = arith.constant 4 : i32
      %div3A_645 = arith.divsi %add3A_628, %jit3A_644 : i32
      %sign3A_646 = arith.constant 0 : i32
      %sign3A_647 = arith.cmpi sgt, %add3A_628, %sign3A_646 : i32
      %sign3A_648 = arith.extui %sign3A_647 : i1 to i32
      %sign3A_649 = arith.constant 0 : i32
      %sign3A_650 = arith.cmpi slt, %add3A_628, %sign3A_649 : i32
      %sign3A_651 = arith.extui %sign3A_650 : i1 to i32
      %sign3A_652 = arith.subi %sign3A_648, %sign3A_651 : i32
      %sign3A_653 = arith.constant 0 : i32
      %sign3A_654 = arith.cmpi sgt, %jit3A_644, %sign3A_653 : i32
      %sign3A_655 = arith.extui %sign3A_654 : i1 to i32
      %sign3A_656 = arith.constant 0 : i32
      %sign3A_657 = arith.cmpi slt, %jit3A_644, %sign3A_656 : i32
      %sign3A_658 = arith.extui %sign3A_657 : i1 to i32
      %sign3A_659 = arith.subi %sign3A_655, %sign3A_658 : i32
      %ne3A_660 = arith.cmpi ne, %sign3A_652, %sign3A_659 : i32
      %rem3A_661 = arith.remsi %add3A_628, %jit3A_644 : i32
      %ne3A_662 = arith.constant 0 : i32
      %ne3A_663 = arith.cmpi ne, %rem3A_661, %ne3A_662 : i32
      %and3A_664 = arith.andi %ne3A_660, %ne3A_663 : i1
      %sub3A_665 = arith.constant 1 : i32
      %sub3A_666 = arith.subi %div3A_645, %sub3A_665 : i32
      %select_n3A_667 = arith.select %and3A_664, %sub3A_666, %div3A_645 : i32
      %rem3A_668 = arith.constant 4 : i32
      %rem3A_669 = arith.remsi %add3A_628, %rem3A_668 : i32
      %dma_wait3A_670 = arith.constant 4 : i32
      %dma_wait3A_671 = arith.constant 0 : i32
      %dma_wait3A_672 = arith.constant 0 : i32
      %dma_wait3A_673 = tpu.memref_slice %arg6[%dma_wait3A_670, %dma_wait3A_671, %dma_wait3A_672] : memref<8x128x16xf32, #tpu.memory_space<vmem>> -> memref<1x128x16xf32, #tpu.memory_space<vmem>>
      %dma_wait3A_674 = tpu.memref_squeeze %dma_wait3A_673 : memref<1x128x16xf32, #tpu.memory_space<vmem>> -> memref<128x16xf32, #tpu.memory_space<vmem>>
      %dma_wait3A_675 = arith.constant 0 : i32
      %dma_wait3A_676 = tpu.memref_slice %arg5[%select_n3A_667, %rem3A_669, %dma_wait3A_675] : memref<26x4x128xi32, #tpu.memory_space<vmem>> -> memref<1x1x128xi32, #tpu.memory_space<vmem>>
      %dma_wait3A_677 = tpu.memref_squeeze %dma_wait3A_676 : memref<1x1x128xi32, #tpu.memory_space<vmem>> -> memref<128xi32, #tpu.memory_space<vmem>>
      %dma_wait3A_678 = arith.constant 0 : i32
      %dma_wait3A_679 = arith.constant 0 : i32
      %dma_wait3A_680 = tpu.memref_slice %arg3[%dma_wait3A_678, %dma_wait3A_679] : memref<2600000x16xf32, #tpu.memory_space<hbm>> -> memref<2600000x16xf32, #tpu.memory_space<hbm>>
      tpu.wait_indirect_dma semaphore(%arg11 : memref<!tpu.dma_semaphore, #tpu.memory_space<semaphore_mem>>) src(%dma_wait3A_680 : memref<2600000x16xf32, #tpu.memory_space<hbm>>) dst(%dma_wait3A_674 : memref<128x16xf32, #tpu.memory_space<vmem>>)
      %jit3A_681 = arith.constant 4 : i32
      %div3A_682 = arith.divsi %add3A_628, %jit3A_681 : i32
      %sign3A_683 = arith.constant 0 : i32
      %sign3A_684 = arith.cmpi sgt, %add3A_628, %sign3A_683 : i32
      %sign3A_685 = arith.extui %sign3A_684 : i1 to i32
      %sign3A_686 = arith.constant 0 : i32
      %sign3A_687 = arith.cmpi slt, %add3A_628, %sign3A_686 : i32
      %sign3A_688 = arith.extui %sign3A_687 : i1 to i32
      %sign3A_689 = arith.subi %sign3A_685, %sign3A_688 : i32
      %sign3A_690 = arith.constant 0 : i32
      %sign3A_691 = arith.cmpi sgt, %jit3A_681, %sign3A_690 : i32
      %sign3A_692 = arith.extui %sign3A_691 : i1 to i32
      %sign3A_693 = arith.constant 0 : i32
      %sign3A_694 = arith.cmpi slt, %jit3A_681, %sign3A_693 : i32
      %sign3A_695 = arith.extui %sign3A_694 : i1 to i32
      %sign3A_696 = arith.subi %sign3A_692, %sign3A_695 : i32
      %ne3A_697 = arith.cmpi ne, %sign3A_689, %sign3A_696 : i32
      %rem3A_698 = arith.remsi %add3A_628, %jit3A_681 : i32
      %ne3A_699 = arith.constant 0 : i32
      %ne3A_700 = arith.cmpi ne, %rem3A_698, %ne3A_699 : i32
      %and3A_701 = arith.andi %ne3A_697, %ne3A_700 : i1
      %sub3A_702 = arith.constant 1 : i32
      %sub3A_703 = arith.subi %div3A_682, %sub3A_702 : i32
      %select_n3A_704 = arith.select %and3A_701, %sub3A_703, %div3A_682 : i32
      %rem3A_705 = arith.constant 4 : i32
      %rem3A_706 = arith.remsi %add3A_628, %rem3A_705 : i32
      %mul3A_707 = arith.constant 128 : i32
      %mul3A_708 = arith.muli %rem3A_706, %mul3A_707 : i32
      %add3A_709 = arith.addi %mul3A_2, %mul3A_708 : i32
      %dma_start3A_710 = arith.constant 4 : i32
      %dma_start3A_711 = arith.constant 0 : i32
      %dma_start3A_712 = arith.constant 0 : i32
      %dma_start3A_713 = tpu.memref_slice %arg6[%dma_start3A_710, %dma_start3A_711, %dma_start3A_712] : memref<8x128x16xf32, #tpu.memory_space<vmem>> -> memref<1x128x16xf32, #tpu.memory_space<vmem>>
      %dma_start3A_714 = tpu.memref_squeeze %dma_start3A_713 : memref<1x128x16xf32, #tpu.memory_space<vmem>> -> memref<128x16xf32, #tpu.memory_space<vmem>>
      %dma_start3A_715 = arith.constant 0 : i32
      %dma_start3A_716 = tpu.memref_slice %arg4[%add3A_709, %select_n3A_704, %dma_start3A_715] : memref<16384x26x16xf32, #tpu.memory_space<hbm>> -> memref<128x1x16xf32, #tpu.memory_space<hbm>>
      %dma_start3A_717 = tpu.memref_squeeze %dma_start3A_716 : memref<128x1x16xf32, #tpu.memory_space<hbm>> -> memref<128x16xf32, #tpu.memory_space<hbm>>
      %dma_start3A_718 = arith.constant 0 : i32
      %dma_start3A_719 = tpu.memref_slice %arg4[%add3A_709, %select_n3A_704, %dma_start3A_718] : memref<16384x26x16xf32, #tpu.memory_space<hbm>> -> memref<128x1x16xf32, #tpu.memory_space<hbm>>
      %dma_start3A_720 = tpu.memref_squeeze %dma_start3A_719 : memref<128x1x16xf32, #tpu.memory_space<hbm>> -> memref<128x16xf32, #tpu.memory_space<hbm>>
      %dma_start3A_721 = arith.constant 0 : i32
      %dma_start3A_722 = arith.constant 0 : i32
      %dma_start3A_723 = tpu.memref_slice %arg6[%dma_start3A_710, %dma_start3A_721, %dma_start3A_722] : memref<8x128x16xf32, #tpu.memory_space<vmem>> -> memref<1x128x16xf32, #tpu.memory_space<vmem>>
      %dma_start3A_724 = tpu.memref_squeeze %dma_start3A_723 : memref<1x128x16xf32, #tpu.memory_space<vmem>> -> memref<128x16xf32, #tpu.memory_space<vmem>>
      tpu.enqueue_dma source(%dma_start3A_724 : memref<128x16xf32, #tpu.memory_space<vmem>>) target(%dma_start3A_720 : memref<128x16xf32, #tpu.memory_space<hbm>>) target_semaphore(%arg19 : memref<!tpu.dma_semaphore, #tpu.memory_space<semaphore_mem>>)
      %add3A_725 = arith.constant 5 : i32
      %add3A_726 = arith.addi %mul3A_245, %add3A_725 : i32
      %add3A_727 = arith.constant 4 : i32
      %add3A_728 = arith.addi %add3A_726, %add3A_727 : i32
      %ge3A_729 = arith.constant 8 : i32
      %ge3A_730 = arith.cmpi sge, %add3A_728, %ge3A_729 : i32
      %lt3A_731 = arith.constant 104 : i32
      %lt3A_732 = arith.cmpi slt, %add3A_728, %lt3A_731 : i32
      %and3A_733 = arith.andi %ge3A_730, %lt3A_732 : i1
      %convert_element_type3A_734 = arith.extui %and3A_733 : i1 to i32
      %cond3A_735 = arith.constant 0 : i32
      %cond3A_736 = arith.cmpi ne, %convert_element_type3A_734, %cond3A_735 : i32
      scf.if %cond3A_736 {
        %sub3A_1019 = arith.constant 8 : i32
        %sub3A_1020 = arith.subi %add3A_728, %sub3A_1019 : i32
        %jit3A_1021 = arith.constant 4 : i32
        %div3A_1022 = arith.divsi %sub3A_1020, %jit3A_1021 : i32
        %sign3A_1023 = arith.constant 0 : i32
        %sign3A_1024 = arith.cmpi sgt, %sub3A_1020, %sign3A_1023 : i32
        %sign3A_1025 = arith.extui %sign3A_1024 : i1 to i32
        %sign3A_1026 = arith.constant 0 : i32
        %sign3A_1027 = arith.cmpi slt, %sub3A_1020, %sign3A_1026 : i32
        %sign3A_1028 = arith.extui %sign3A_1027 : i1 to i32
        %sign3A_1029 = arith.subi %sign3A_1025, %sign3A_1028 : i32
        %sign3A_1030 = arith.constant 0 : i32
        %sign3A_1031 = arith.cmpi sgt, %jit3A_1021, %sign3A_1030 : i32
        %sign3A_1032 = arith.extui %sign3A_1031 : i1 to i32
        %sign3A_1033 = arith.constant 0 : i32
        %sign3A_1034 = arith.cmpi slt, %jit3A_1021, %sign3A_1033 : i32
        %sign3A_1035 = arith.extui %sign3A_1034 : i1 to i32
        %sign3A_1036 = arith.subi %sign3A_1032, %sign3A_1035 : i32
        %ne3A_1037 = arith.cmpi ne, %sign3A_1029, %sign3A_1036 : i32
        %rem3A_1038 = arith.remsi %sub3A_1020, %jit3A_1021 : i32
        %ne3A_1039 = arith.constant 0 : i32
        %ne3A_1040 = arith.cmpi ne, %rem3A_1038, %ne3A_1039 : i32
        %and3A_1041 = arith.andi %ne3A_1037, %ne3A_1040 : i1
        %sub3A_1042 = arith.constant 1 : i32
        %sub3A_1043 = arith.subi %div3A_1022, %sub3A_1042 : i32
        %select_n3A_1044 = arith.select %and3A_1041, %sub3A_1043, %div3A_1022 : i32
        %rem3A_1045 = arith.constant 4 : i32
        %rem3A_1046 = arith.remsi %sub3A_1020, %rem3A_1045 : i32
        %mul3A_1047 = arith.constant 128 : i32
        %mul3A_1048 = arith.muli %rem3A_1046, %mul3A_1047 : i32
        %add3A_1049 = arith.addi %mul3A_2, %mul3A_1048 : i32
        %dma_wait3A_1050 = arith.constant 1 : i32
        %dma_wait3A_1051 = arith.constant 0 : i32
        %dma_wait3A_1052 = arith.constant 0 : i32
        %dma_wait3A_1053 = tpu.memref_slice %arg6[%dma_wait3A_1050, %dma_wait3A_1051, %dma_wait3A_1052] : memref<8x128x16xf32, #tpu.memory_space<vmem>> -> memref<1x128x16xf32, #tpu.memory_space<vmem>>
        %dma_wait3A_1054 = tpu.memref_squeeze %dma_wait3A_1053 : memref<1x128x16xf32, #tpu.memory_space<vmem>> -> memref<128x16xf32, #tpu.memory_space<vmem>>
        %dma_wait3A_1055 = arith.constant 0 : i32
        %dma_wait3A_1056 = tpu.memref_slice %arg4[%add3A_1049, %select_n3A_1044, %dma_wait3A_1055] : memref<16384x26x16xf32, #tpu.memory_space<hbm>> -> memref<128x1x16xf32, #tpu.memory_space<hbm>>
        %dma_wait3A_1057 = tpu.memref_squeeze %dma_wait3A_1056 : memref<128x1x16xf32, #tpu.memory_space<hbm>> -> memref<128x16xf32, #tpu.memory_space<hbm>>
        %dma_wait3A_1058 = arith.constant 0 : i32
        %dma_wait3A_1059 = tpu.memref_slice %arg4[%add3A_1049, %select_n3A_1044, %dma_wait3A_1058] : memref<16384x26x16xf32, #tpu.memory_space<hbm>> -> memref<128x1x16xf32, #tpu.memory_space<hbm>>
        %dma_wait3A_1060 = tpu.memref_squeeze %dma_wait3A_1059 : memref<128x1x16xf32, #tpu.memory_space<hbm>> -> memref<128x16xf32, #tpu.memory_space<hbm>>
        %dma_wait3A_1061 = arith.constant 0 : i32
        %dma_wait3A_1062 = arith.constant 0 : i32
        %dma_wait3A_1063 = tpu.memref_slice %arg6[%dma_wait3A_1050, %dma_wait3A_1061, %dma_wait3A_1062] : memref<8x128x16xf32, #tpu.memory_space<vmem>> -> memref<1x128x16xf32, #tpu.memory_space<vmem>>
        %dma_wait3A_1064 = tpu.memref_squeeze %dma_wait3A_1063 : memref<1x128x16xf32, #tpu.memory_space<vmem>> -> memref<128x16xf32, #tpu.memory_space<vmem>>
        tpu.wait_dma2 semaphore(%arg16 : memref<!tpu.dma_semaphore, #tpu.memory_space<semaphore_mem>>) src(%dma_wait3A_1064 : memref<128x16xf32, #tpu.memory_space<vmem>>) dst(%dma_wait3A_1060 : memref<128x16xf32, #tpu.memory_space<hbm>>)
      } else {
      }
      %lt3A_737 = arith.constant 104 : i32
      %lt3A_738 = arith.cmpi slt, %add3A_728, %lt3A_737 : i32
      %convert_element_type3A_739 = arith.extui %lt3A_738 : i1 to i32
      %cond3A_740 = arith.constant 0 : i32
      %cond3A_741 = arith.cmpi ne, %convert_element_type3A_739, %cond3A_740 : i32
      scf.if %cond3A_741 {
        %jit3A_1019 = arith.constant 4 : i32
        %div3A_1020 = arith.divsi %add3A_728, %jit3A_1019 : i32
        %sign3A_1021 = arith.constant 0 : i32
        %sign3A_1022 = arith.cmpi sgt, %add3A_728, %sign3A_1021 : i32
        %sign3A_1023 = arith.extui %sign3A_1022 : i1 to i32
        %sign3A_1024 = arith.constant 0 : i32
        %sign3A_1025 = arith.cmpi slt, %add3A_728, %sign3A_1024 : i32
        %sign3A_1026 = arith.extui %sign3A_1025 : i1 to i32
        %sign3A_1027 = arith.subi %sign3A_1023, %sign3A_1026 : i32
        %sign3A_1028 = arith.constant 0 : i32
        %sign3A_1029 = arith.cmpi sgt, %jit3A_1019, %sign3A_1028 : i32
        %sign3A_1030 = arith.extui %sign3A_1029 : i1 to i32
        %sign3A_1031 = arith.constant 0 : i32
        %sign3A_1032 = arith.cmpi slt, %jit3A_1019, %sign3A_1031 : i32
        %sign3A_1033 = arith.extui %sign3A_1032 : i1 to i32
        %sign3A_1034 = arith.subi %sign3A_1030, %sign3A_1033 : i32
        %ne3A_1035 = arith.cmpi ne, %sign3A_1027, %sign3A_1034 : i32
        %rem3A_1036 = arith.remsi %add3A_728, %jit3A_1019 : i32
        %ne3A_1037 = arith.constant 0 : i32
        %ne3A_1038 = arith.cmpi ne, %rem3A_1036, %ne3A_1037 : i32
        %and3A_1039 = arith.andi %ne3A_1035, %ne3A_1038 : i1
        %sub3A_1040 = arith.constant 1 : i32
        %sub3A_1041 = arith.subi %div3A_1020, %sub3A_1040 : i32
        %select_n3A_1042 = arith.select %and3A_1039, %sub3A_1041, %div3A_1020 : i32
        %rem3A_1043 = arith.constant 4 : i32
        %rem3A_1044 = arith.remsi %add3A_728, %rem3A_1043 : i32
        %dma_start3A_1045 = arith.constant 1 : i32
        %dma_start3A_1046 = arith.constant 0 : i32
        %dma_start3A_1047 = arith.constant 0 : i32
        %dma_start3A_1048 = tpu.memref_slice %arg6[%dma_start3A_1045, %dma_start3A_1046, %dma_start3A_1047] : memref<8x128x16xf32, #tpu.memory_space<vmem>> -> memref<1x128x16xf32, #tpu.memory_space<vmem>>
        %dma_start3A_1049 = tpu.memref_squeeze %dma_start3A_1048 : memref<1x128x16xf32, #tpu.memory_space<vmem>> -> memref<128x16xf32, #tpu.memory_space<vmem>>
        %dma_start3A_1050 = arith.constant 0 : i32
        %dma_start3A_1051 = tpu.memref_slice %arg5[%select_n3A_1042, %rem3A_1044, %dma_start3A_1050] : memref<26x4x128xi32, #tpu.memory_space<vmem>> -> memref<1x1x128xi32, #tpu.memory_space<vmem>>
        %dma_start3A_1052 = tpu.memref_squeeze %dma_start3A_1051 : memref<1x1x128xi32, #tpu.memory_space<vmem>> -> memref<128xi32, #tpu.memory_space<vmem>>
        %dma_start3A_1053 = arith.constant 0 : i32
        %dma_start3A_1054 = arith.constant 0 : i32
        %dma_start3A_1055 = tpu.memref_slice %arg3[%dma_start3A_1053, %dma_start3A_1054] : memref<2600000x16xf32, #tpu.memory_space<hbm>> -> memref<2600000x16xf32, #tpu.memory_space<hbm>>
        tpu.enqueue_indirect_dma source(%dma_start3A_1055 : memref<2600000x16xf32, #tpu.memory_space<hbm>>) target(%dma_start3A_1049 : memref<128x16xf32, #tpu.memory_space<vmem>>) offsets(%dma_start3A_1052 : memref<128xi32, #tpu.memory_space<vmem>>) semaphore(%arg8 : memref<!tpu.dma_semaphore, #tpu.memory_space<semaphore_mem>>)
      } else {
      }
      %jit3A_742 = arith.constant 4 : i32
      %div3A_743 = arith.divsi %add3A_726, %jit3A_742 : i32
      %sign3A_744 = arith.constant 0 : i32
      %sign3A_745 = arith.cmpi sgt, %add3A_726, %sign3A_744 : i32
      %sign3A_746 = arith.extui %sign3A_745 : i1 to i32
      %sign3A_747 = arith.constant 0 : i32
      %sign3A_748 = arith.cmpi slt, %add3A_726, %sign3A_747 : i32
      %sign3A_749 = arith.extui %sign3A_748 : i1 to i32
      %sign3A_750 = arith.subi %sign3A_746, %sign3A_749 : i32
      %sign3A_751 = arith.constant 0 : i32
      %sign3A_752 = arith.cmpi sgt, %jit3A_742, %sign3A_751 : i32
      %sign3A_753 = arith.extui %sign3A_752 : i1 to i32
      %sign3A_754 = arith.constant 0 : i32
      %sign3A_755 = arith.cmpi slt, %jit3A_742, %sign3A_754 : i32
      %sign3A_756 = arith.extui %sign3A_755 : i1 to i32
      %sign3A_757 = arith.subi %sign3A_753, %sign3A_756 : i32
      %ne3A_758 = arith.cmpi ne, %sign3A_750, %sign3A_757 : i32
      %rem3A_759 = arith.remsi %add3A_726, %jit3A_742 : i32
      %ne3A_760 = arith.constant 0 : i32
      %ne3A_761 = arith.cmpi ne, %rem3A_759, %ne3A_760 : i32
      %and3A_762 = arith.andi %ne3A_758, %ne3A_761 : i1
      %sub3A_763 = arith.constant 1 : i32
      %sub3A_764 = arith.subi %div3A_743, %sub3A_763 : i32
      %select_n3A_765 = arith.select %and3A_762, %sub3A_764, %div3A_743 : i32
      %rem3A_766 = arith.constant 4 : i32
      %rem3A_767 = arith.remsi %add3A_726, %rem3A_766 : i32
      %dma_wait3A_768 = arith.constant 5 : i32
      %dma_wait3A_769 = arith.constant 0 : i32
      %dma_wait3A_770 = arith.constant 0 : i32
      %dma_wait3A_771 = tpu.memref_slice %arg6[%dma_wait3A_768, %dma_wait3A_769, %dma_wait3A_770] : memref<8x128x16xf32, #tpu.memory_space<vmem>> -> memref<1x128x16xf32, #tpu.memory_space<vmem>>
      %dma_wait3A_772 = tpu.memref_squeeze %dma_wait3A_771 : memref<1x128x16xf32, #tpu.memory_space<vmem>> -> memref<128x16xf32, #tpu.memory_space<vmem>>
      %dma_wait3A_773 = arith.constant 0 : i32
      %dma_wait3A_774 = tpu.memref_slice %arg5[%select_n3A_765, %rem3A_767, %dma_wait3A_773] : memref<26x4x128xi32, #tpu.memory_space<vmem>> -> memref<1x1x128xi32, #tpu.memory_space<vmem>>
      %dma_wait3A_775 = tpu.memref_squeeze %dma_wait3A_774 : memref<1x1x128xi32, #tpu.memory_space<vmem>> -> memref<128xi32, #tpu.memory_space<vmem>>
      %dma_wait3A_776 = arith.constant 0 : i32
      %dma_wait3A_777 = arith.constant 0 : i32
      %dma_wait3A_778 = tpu.memref_slice %arg3[%dma_wait3A_776, %dma_wait3A_777] : memref<2600000x16xf32, #tpu.memory_space<hbm>> -> memref<2600000x16xf32, #tpu.memory_space<hbm>>
      tpu.wait_indirect_dma semaphore(%arg12 : memref<!tpu.dma_semaphore, #tpu.memory_space<semaphore_mem>>) src(%dma_wait3A_778 : memref<2600000x16xf32, #tpu.memory_space<hbm>>) dst(%dma_wait3A_772 : memref<128x16xf32, #tpu.memory_space<vmem>>)
      %jit3A_779 = arith.constant 4 : i32
      %div3A_780 = arith.divsi %add3A_726, %jit3A_779 : i32
      %sign3A_781 = arith.constant 0 : i32
      %sign3A_782 = arith.cmpi sgt, %add3A_726, %sign3A_781 : i32
      %sign3A_783 = arith.extui %sign3A_782 : i1 to i32
      %sign3A_784 = arith.constant 0 : i32
      %sign3A_785 = arith.cmpi slt, %add3A_726, %sign3A_784 : i32
      %sign3A_786 = arith.extui %sign3A_785 : i1 to i32
      %sign3A_787 = arith.subi %sign3A_783, %sign3A_786 : i32
      %sign3A_788 = arith.constant 0 : i32
      %sign3A_789 = arith.cmpi sgt, %jit3A_779, %sign3A_788 : i32
      %sign3A_790 = arith.extui %sign3A_789 : i1 to i32
      %sign3A_791 = arith.constant 0 : i32
      %sign3A_792 = arith.cmpi slt, %jit3A_779, %sign3A_791 : i32
      %sign3A_793 = arith.extui %sign3A_792 : i1 to i32
      %sign3A_794 = arith.subi %sign3A_790, %sign3A_793 : i32
      %ne3A_795 = arith.cmpi ne, %sign3A_787, %sign3A_794 : i32
      %rem3A_796 = arith.remsi %add3A_726, %jit3A_779 : i32
      %ne3A_797 = arith.constant 0 : i32
      %ne3A_798 = arith.cmpi ne, %rem3A_796, %ne3A_797 : i32
      %and3A_799 = arith.andi %ne3A_795, %ne3A_798 : i1
      %sub3A_800 = arith.constant 1 : i32
      %sub3A_801 = arith.subi %div3A_780, %sub3A_800 : i32
      %select_n3A_802 = arith.select %and3A_799, %sub3A_801, %div3A_780 : i32
      %rem3A_803 = arith.constant 4 : i32
      %rem3A_804 = arith.remsi %add3A_726, %rem3A_803 : i32
      %mul3A_805 = arith.constant 128 : i32
      %mul3A_806 = arith.muli %rem3A_804, %mul3A_805 : i32
      %add3A_807 = arith.addi %mul3A_2, %mul3A_806 : i32
      %dma_start3A_808 = arith.constant 5 : i32
      %dma_start3A_809 = arith.constant 0 : i32
      %dma_start3A_810 = arith.constant 0 : i32
      %dma_start3A_811 = tpu.memref_slice %arg6[%dma_start3A_808, %dma_start3A_809, %dma_start3A_810] : memref<8x128x16xf32, #tpu.memory_space<vmem>> -> memref<1x128x16xf32, #tpu.memory_space<vmem>>
      %dma_start3A_812 = tpu.memref_squeeze %dma_start3A_811 : memref<1x128x16xf32, #tpu.memory_space<vmem>> -> memref<128x16xf32, #tpu.memory_space<vmem>>
      %dma_start3A_813 = arith.constant 0 : i32
      %dma_start3A_814 = tpu.memref_slice %arg4[%add3A_807, %select_n3A_802, %dma_start3A_813] : memref<16384x26x16xf32, #tpu.memory_space<hbm>> -> memref<128x1x16xf32, #tpu.memory_space<hbm>>
      %dma_start3A_815 = tpu.memref_squeeze %dma_start3A_814 : memref<128x1x16xf32, #tpu.memory_space<hbm>> -> memref<128x16xf32, #tpu.memory_space<hbm>>
      %dma_start3A_816 = arith.constant 0 : i32
      %dma_start3A_817 = tpu.memref_slice %arg4[%add3A_807, %select_n3A_802, %dma_start3A_816] : memref<16384x26x16xf32, #tpu.memory_space<hbm>> -> memref<128x1x16xf32, #tpu.memory_space<hbm>>
      %dma_start3A_818 = tpu.memref_squeeze %dma_start3A_817 : memref<128x1x16xf32, #tpu.memory_space<hbm>> -> memref<128x16xf32, #tpu.memory_space<hbm>>
      %dma_start3A_819 = arith.constant 0 : i32
      %dma_start3A_820 = arith.constant 0 : i32
      %dma_start3A_821 = tpu.memref_slice %arg6[%dma_start3A_808, %dma_start3A_819, %dma_start3A_820] : memref<8x128x16xf32, #tpu.memory_space<vmem>> -> memref<1x128x16xf32, #tpu.memory_space<vmem>>
      %dma_start3A_822 = tpu.memref_squeeze %dma_start3A_821 : memref<1x128x16xf32, #tpu.memory_space<vmem>> -> memref<128x16xf32, #tpu.memory_space<vmem>>
      tpu.enqueue_dma source(%dma_start3A_822 : memref<128x16xf32, #tpu.memory_space<vmem>>) target(%dma_start3A_818 : memref<128x16xf32, #tpu.memory_space<hbm>>) target_semaphore(%arg20 : memref<!tpu.dma_semaphore, #tpu.memory_space<semaphore_mem>>)
      %add3A_823 = arith.constant 6 : i32
      %add3A_824 = arith.addi %mul3A_245, %add3A_823 : i32
      %add3A_825 = arith.constant 4 : i32
      %add3A_826 = arith.addi %add3A_824, %add3A_825 : i32
      %ge3A_827 = arith.constant 8 : i32
      %ge3A_828 = arith.cmpi sge, %add3A_826, %ge3A_827 : i32
      %lt3A_829 = arith.constant 104 : i32
      %lt3A_830 = arith.cmpi slt, %add3A_826, %lt3A_829 : i32
      %and3A_831 = arith.andi %ge3A_828, %lt3A_830 : i1
      %convert_element_type3A_832 = arith.extui %and3A_831 : i1 to i32
      %cond3A_833 = arith.constant 0 : i32
      %cond3A_834 = arith.cmpi ne, %convert_element_type3A_832, %cond3A_833 : i32
      scf.if %cond3A_834 {
        %sub3A_1019 = arith.constant 8 : i32
        %sub3A_1020 = arith.subi %add3A_826, %sub3A_1019 : i32
        %jit3A_1021 = arith.constant 4 : i32
        %div3A_1022 = arith.divsi %sub3A_1020, %jit3A_1021 : i32
        %sign3A_1023 = arith.constant 0 : i32
        %sign3A_1024 = arith.cmpi sgt, %sub3A_1020, %sign3A_1023 : i32
        %sign3A_1025 = arith.extui %sign3A_1024 : i1 to i32
        %sign3A_1026 = arith.constant 0 : i32
        %sign3A_1027 = arith.cmpi slt, %sub3A_1020, %sign3A_1026 : i32
        %sign3A_1028 = arith.extui %sign3A_1027 : i1 to i32
        %sign3A_1029 = arith.subi %sign3A_1025, %sign3A_1028 : i32
        %sign3A_1030 = arith.constant 0 : i32
        %sign3A_1031 = arith.cmpi sgt, %jit3A_1021, %sign3A_1030 : i32
        %sign3A_1032 = arith.extui %sign3A_1031 : i1 to i32
        %sign3A_1033 = arith.constant 0 : i32
        %sign3A_1034 = arith.cmpi slt, %jit3A_1021, %sign3A_1033 : i32
        %sign3A_1035 = arith.extui %sign3A_1034 : i1 to i32
        %sign3A_1036 = arith.subi %sign3A_1032, %sign3A_1035 : i32
        %ne3A_1037 = arith.cmpi ne, %sign3A_1029, %sign3A_1036 : i32
        %rem3A_1038 = arith.remsi %sub3A_1020, %jit3A_1021 : i32
        %ne3A_1039 = arith.constant 0 : i32
        %ne3A_1040 = arith.cmpi ne, %rem3A_1038, %ne3A_1039 : i32
        %and3A_1041 = arith.andi %ne3A_1037, %ne3A_1040 : i1
        %sub3A_1042 = arith.constant 1 : i32
        %sub3A_1043 = arith.subi %div3A_1022, %sub3A_1042 : i32
        %select_n3A_1044 = arith.select %and3A_1041, %sub3A_1043, %div3A_1022 : i32
        %rem3A_1045 = arith.constant 4 : i32
        %rem3A_1046 = arith.remsi %sub3A_1020, %rem3A_1045 : i32
        %mul3A_1047 = arith.constant 128 : i32
        %mul3A_1048 = arith.muli %rem3A_1046, %mul3A_1047 : i32
        %add3A_1049 = arith.addi %mul3A_2, %mul3A_1048 : i32
        %dma_wait3A_1050 = arith.constant 2 : i32
        %dma_wait3A_1051 = arith.constant 0 : i32
        %dma_wait3A_1052 = arith.constant 0 : i32
        %dma_wait3A_1053 = tpu.memref_slice %arg6[%dma_wait3A_1050, %dma_wait3A_1051, %dma_wait3A_1052] : memref<8x128x16xf32, #tpu.memory_space<vmem>> -> memref<1x128x16xf32, #tpu.memory_space<vmem>>
        %dma_wait3A_1054 = tpu.memref_squeeze %dma_wait3A_1053 : memref<1x128x16xf32, #tpu.memory_space<vmem>> -> memref<128x16xf32, #tpu.memory_space<vmem>>
        %dma_wait3A_1055 = arith.constant 0 : i32
        %dma_wait3A_1056 = tpu.memref_slice %arg4[%add3A_1049, %select_n3A_1044, %dma_wait3A_1055] : memref<16384x26x16xf32, #tpu.memory_space<hbm>> -> memref<128x1x16xf32, #tpu.memory_space<hbm>>
        %dma_wait3A_1057 = tpu.memref_squeeze %dma_wait3A_1056 : memref<128x1x16xf32, #tpu.memory_space<hbm>> -> memref<128x16xf32, #tpu.memory_space<hbm>>
        %dma_wait3A_1058 = arith.constant 0 : i32
        %dma_wait3A_1059 = tpu.memref_slice %arg4[%add3A_1049, %select_n3A_1044, %dma_wait3A_1058] : memref<16384x26x16xf32, #tpu.memory_space<hbm>> -> memref<128x1x16xf32, #tpu.memory_space<hbm>>
        %dma_wait3A_1060 = tpu.memref_squeeze %dma_wait3A_1059 : memref<128x1x16xf32, #tpu.memory_space<hbm>> -> memref<128x16xf32, #tpu.memory_space<hbm>>
        %dma_wait3A_1061 = arith.constant 0 : i32
        %dma_wait3A_1062 = arith.constant 0 : i32
        %dma_wait3A_1063 = tpu.memref_slice %arg6[%dma_wait3A_1050, %dma_wait3A_1061, %dma_wait3A_1062] : memref<8x128x16xf32, #tpu.memory_space<vmem>> -> memref<1x128x16xf32, #tpu.memory_space<vmem>>
        %dma_wait3A_1064 = tpu.memref_squeeze %dma_wait3A_1063 : memref<1x128x16xf32, #tpu.memory_space<vmem>> -> memref<128x16xf32, #tpu.memory_space<vmem>>
        tpu.wait_dma2 semaphore(%arg17 : memref<!tpu.dma_semaphore, #tpu.memory_space<semaphore_mem>>) src(%dma_wait3A_1064 : memref<128x16xf32, #tpu.memory_space<vmem>>) dst(%dma_wait3A_1060 : memref<128x16xf32, #tpu.memory_space<hbm>>)
      } else {
      }
      %lt3A_835 = arith.constant 104 : i32
      %lt3A_836 = arith.cmpi slt, %add3A_826, %lt3A_835 : i32
      %convert_element_type3A_837 = arith.extui %lt3A_836 : i1 to i32
      %cond3A_838 = arith.constant 0 : i32
      %cond3A_839 = arith.cmpi ne, %convert_element_type3A_837, %cond3A_838 : i32
      scf.if %cond3A_839 {
        %jit3A_1019 = arith.constant 4 : i32
        %div3A_1020 = arith.divsi %add3A_826, %jit3A_1019 : i32
        %sign3A_1021 = arith.constant 0 : i32
        %sign3A_1022 = arith.cmpi sgt, %add3A_826, %sign3A_1021 : i32
        %sign3A_1023 = arith.extui %sign3A_1022 : i1 to i32
        %sign3A_1024 = arith.constant 0 : i32
        %sign3A_1025 = arith.cmpi slt, %add3A_826, %sign3A_1024 : i32
        %sign3A_1026 = arith.extui %sign3A_1025 : i1 to i32
        %sign3A_1027 = arith.subi %sign3A_1023, %sign3A_1026 : i32
        %sign3A_1028 = arith.constant 0 : i32
        %sign3A_1029 = arith.cmpi sgt, %jit3A_1019, %sign3A_1028 : i32
        %sign3A_1030 = arith.extui %sign3A_1029 : i1 to i32
        %sign3A_1031 = arith.constant 0 : i32
        %sign3A_1032 = arith.cmpi slt, %jit3A_1019, %sign3A_1031 : i32
        %sign3A_1033 = arith.extui %sign3A_1032 : i1 to i32
        %sign3A_1034 = arith.subi %sign3A_1030, %sign3A_1033 : i32
        %ne3A_1035 = arith.cmpi ne, %sign3A_1027, %sign3A_1034 : i32
        %rem3A_1036 = arith.remsi %add3A_826, %jit3A_1019 : i32
        %ne3A_1037 = arith.constant 0 : i32
        %ne3A_1038 = arith.cmpi ne, %rem3A_1036, %ne3A_1037 : i32
        %and3A_1039 = arith.andi %ne3A_1035, %ne3A_1038 : i1
        %sub3A_1040 = arith.constant 1 : i32
        %sub3A_1041 = arith.subi %div3A_1020, %sub3A_1040 : i32
        %select_n3A_1042 = arith.select %and3A_1039, %sub3A_1041, %div3A_1020 : i32
        %rem3A_1043 = arith.constant 4 : i32
        %rem3A_1044 = arith.remsi %add3A_826, %rem3A_1043 : i32
        %dma_start3A_1045 = arith.constant 2 : i32
        %dma_start3A_1046 = arith.constant 0 : i32
        %dma_start3A_1047 = arith.constant 0 : i32
        %dma_start3A_1048 = tpu.memref_slice %arg6[%dma_start3A_1045, %dma_start3A_1046, %dma_start3A_1047] : memref<8x128x16xf32, #tpu.memory_space<vmem>> -> memref<1x128x16xf32, #tpu.memory_space<vmem>>
        %dma_start3A_1049 = tpu.memref_squeeze %dma_start3A_1048 : memref<1x128x16xf32, #tpu.memory_space<vmem>> -> memref<128x16xf32, #tpu.memory_space<vmem>>
        %dma_start3A_1050 = arith.constant 0 : i32
        %dma_start3A_1051 = tpu.memref_slice %arg5[%select_n3A_1042, %rem3A_1044, %dma_start3A_1050] : memref<26x4x128xi32, #tpu.memory_space<vmem>> -> memref<1x1x128xi32, #tpu.memory_space<vmem>>
        %dma_start3A_1052 = tpu.memref_squeeze %dma_start3A_1051 : memref<1x1x128xi32, #tpu.memory_space<vmem>> -> memref<128xi32, #tpu.memory_space<vmem>>
        %dma_start3A_1053 = arith.constant 0 : i32
        %dma_start3A_1054 = arith.constant 0 : i32
        %dma_start3A_1055 = tpu.memref_slice %arg3[%dma_start3A_1053, %dma_start3A_1054] : memref<2600000x16xf32, #tpu.memory_space<hbm>> -> memref<2600000x16xf32, #tpu.memory_space<hbm>>
        tpu.enqueue_indirect_dma source(%dma_start3A_1055 : memref<2600000x16xf32, #tpu.memory_space<hbm>>) target(%dma_start3A_1049 : memref<128x16xf32, #tpu.memory_space<vmem>>) offsets(%dma_start3A_1052 : memref<128xi32, #tpu.memory_space<vmem>>) semaphore(%arg9 : memref<!tpu.dma_semaphore, #tpu.memory_space<semaphore_mem>>)
      } else {
      }
      %jit3A_840 = arith.constant 4 : i32
      %div3A_841 = arith.divsi %add3A_824, %jit3A_840 : i32
      %sign3A_842 = arith.constant 0 : i32
      %sign3A_843 = arith.cmpi sgt, %add3A_824, %sign3A_842 : i32
      %sign3A_844 = arith.extui %sign3A_843 : i1 to i32
      %sign3A_845 = arith.constant 0 : i32
      %sign3A_846 = arith.cmpi slt, %add3A_824, %sign3A_845 : i32
      %sign3A_847 = arith.extui %sign3A_846 : i1 to i32
      %sign3A_848 = arith.subi %sign3A_844, %sign3A_847 : i32
      %sign3A_849 = arith.constant 0 : i32
      %sign3A_850 = arith.cmpi sgt, %jit3A_840, %sign3A_849 : i32
      %sign3A_851 = arith.extui %sign3A_850 : i1 to i32
      %sign3A_852 = arith.constant 0 : i32
      %sign3A_853 = arith.cmpi slt, %jit3A_840, %sign3A_852 : i32
      %sign3A_854 = arith.extui %sign3A_853 : i1 to i32
      %sign3A_855 = arith.subi %sign3A_851, %sign3A_854 : i32
      %ne3A_856 = arith.cmpi ne, %sign3A_848, %sign3A_855 : i32
      %rem3A_857 = arith.remsi %add3A_824, %jit3A_840 : i32
      %ne3A_858 = arith.constant 0 : i32
      %ne3A_859 = arith.cmpi ne, %rem3A_857, %ne3A_858 : i32
      %and3A_860 = arith.andi %ne3A_856, %ne3A_859 : i1
      %sub3A_861 = arith.constant 1 : i32
      %sub3A_862 = arith.subi %div3A_841, %sub3A_861 : i32
      %select_n3A_863 = arith.select %and3A_860, %sub3A_862, %div3A_841 : i32
      %rem3A_864 = arith.constant 4 : i32
      %rem3A_865 = arith.remsi %add3A_824, %rem3A_864 : i32
      %dma_wait3A_866 = arith.constant 6 : i32
      %dma_wait3A_867 = arith.constant 0 : i32
      %dma_wait3A_868 = arith.constant 0 : i32
      %dma_wait3A_869 = tpu.memref_slice %arg6[%dma_wait3A_866, %dma_wait3A_867, %dma_wait3A_868] : memref<8x128x16xf32, #tpu.memory_space<vmem>> -> memref<1x128x16xf32, #tpu.memory_space<vmem>>
      %dma_wait3A_870 = tpu.memref_squeeze %dma_wait3A_869 : memref<1x128x16xf32, #tpu.memory_space<vmem>> -> memref<128x16xf32, #tpu.memory_space<vmem>>
      %dma_wait3A_871 = arith.constant 0 : i32
      %dma_wait3A_872 = tpu.memref_slice %arg5[%select_n3A_863, %rem3A_865, %dma_wait3A_871] : memref<26x4x128xi32, #tpu.memory_space<vmem>> -> memref<1x1x128xi32, #tpu.memory_space<vmem>>
      %dma_wait3A_873 = tpu.memref_squeeze %dma_wait3A_872 : memref<1x1x128xi32, #tpu.memory_space<vmem>> -> memref<128xi32, #tpu.memory_space<vmem>>
      %dma_wait3A_874 = arith.constant 0 : i32
      %dma_wait3A_875 = arith.constant 0 : i32
      %dma_wait3A_876 = tpu.memref_slice %arg3[%dma_wait3A_874, %dma_wait3A_875] : memref<2600000x16xf32, #tpu.memory_space<hbm>> -> memref<2600000x16xf32, #tpu.memory_space<hbm>>
      tpu.wait_indirect_dma semaphore(%arg13 : memref<!tpu.dma_semaphore, #tpu.memory_space<semaphore_mem>>) src(%dma_wait3A_876 : memref<2600000x16xf32, #tpu.memory_space<hbm>>) dst(%dma_wait3A_870 : memref<128x16xf32, #tpu.memory_space<vmem>>)
      %jit3A_877 = arith.constant 4 : i32
      %div3A_878 = arith.divsi %add3A_824, %jit3A_877 : i32
      %sign3A_879 = arith.constant 0 : i32
      %sign3A_880 = arith.cmpi sgt, %add3A_824, %sign3A_879 : i32
      %sign3A_881 = arith.extui %sign3A_880 : i1 to i32
      %sign3A_882 = arith.constant 0 : i32
      %sign3A_883 = arith.cmpi slt, %add3A_824, %sign3A_882 : i32
      %sign3A_884 = arith.extui %sign3A_883 : i1 to i32
      %sign3A_885 = arith.subi %sign3A_881, %sign3A_884 : i32
      %sign3A_886 = arith.constant 0 : i32
      %sign3A_887 = arith.cmpi sgt, %jit3A_877, %sign3A_886 : i32
      %sign3A_888 = arith.extui %sign3A_887 : i1 to i32
      %sign3A_889 = arith.constant 0 : i32
      %sign3A_890 = arith.cmpi slt, %jit3A_877, %sign3A_889 : i32
      %sign3A_891 = arith.extui %sign3A_890 : i1 to i32
      %sign3A_892 = arith.subi %sign3A_888, %sign3A_891 : i32
      %ne3A_893 = arith.cmpi ne, %sign3A_885, %sign3A_892 : i32
      %rem3A_894 = arith.remsi %add3A_824, %jit3A_877 : i32
      %ne3A_895 = arith.constant 0 : i32
      %ne3A_896 = arith.cmpi ne, %rem3A_894, %ne3A_895 : i32
      %and3A_897 = arith.andi %ne3A_893, %ne3A_896 : i1
      %sub3A_898 = arith.constant 1 : i32
      %sub3A_899 = arith.subi %div3A_878, %sub3A_898 : i32
      %select_n3A_900 = arith.select %and3A_897, %sub3A_899, %div3A_878 : i32
      %rem3A_901 = arith.constant 4 : i32
      %rem3A_902 = arith.remsi %add3A_824, %rem3A_901 : i32
      %mul3A_903 = arith.constant 128 : i32
      %mul3A_904 = arith.muli %rem3A_902, %mul3A_903 : i32
      %add3A_905 = arith.addi %mul3A_2, %mul3A_904 : i32
      %dma_start3A_906 = arith.constant 6 : i32
      %dma_start3A_907 = arith.constant 0 : i32
      %dma_start3A_908 = arith.constant 0 : i32
      %dma_start3A_909 = tpu.memref_slice %arg6[%dma_start3A_906, %dma_start3A_907, %dma_start3A_908] : memref<8x128x16xf32, #tpu.memory_space<vmem>> -> memref<1x128x16xf32, #tpu.memory_space<vmem>>
      %dma_start3A_910 = tpu.memref_squeeze %dma_start3A_909 : memref<1x128x16xf32, #tpu.memory_space<vmem>> -> memref<128x16xf32, #tpu.memory_space<vmem>>
      %dma_start3A_911 = arith.constant 0 : i32
      %dma_start3A_912 = tpu.memref_slice %arg4[%add3A_905, %select_n3A_900, %dma_start3A_911] : memref<16384x26x16xf32, #tpu.memory_space<hbm>> -> memref<128x1x16xf32, #tpu.memory_space<hbm>>
      %dma_start3A_913 = tpu.memref_squeeze %dma_start3A_912 : memref<128x1x16xf32, #tpu.memory_space<hbm>> -> memref<128x16xf32, #tpu.memory_space<hbm>>
      %dma_start3A_914 = arith.constant 0 : i32
      %dma_start3A_915 = tpu.memref_slice %arg4[%add3A_905, %select_n3A_900, %dma_start3A_914] : memref<16384x26x16xf32, #tpu.memory_space<hbm>> -> memref<128x1x16xf32, #tpu.memory_space<hbm>>
      %dma_start3A_916 = tpu.memref_squeeze %dma_start3A_915 : memref<128x1x16xf32, #tpu.memory_space<hbm>> -> memref<128x16xf32, #tpu.memory_space<hbm>>
      %dma_start3A_917 = arith.constant 0 : i32
      %dma_start3A_918 = arith.constant 0 : i32
      %dma_start3A_919 = tpu.memref_slice %arg6[%dma_start3A_906, %dma_start3A_917, %dma_start3A_918] : memref<8x128x16xf32, #tpu.memory_space<vmem>> -> memref<1x128x16xf32, #tpu.memory_space<vmem>>
      %dma_start3A_920 = tpu.memref_squeeze %dma_start3A_919 : memref<1x128x16xf32, #tpu.memory_space<vmem>> -> memref<128x16xf32, #tpu.memory_space<vmem>>
      tpu.enqueue_dma source(%dma_start3A_920 : memref<128x16xf32, #tpu.memory_space<vmem>>) target(%dma_start3A_916 : memref<128x16xf32, #tpu.memory_space<hbm>>) target_semaphore(%arg21 : memref<!tpu.dma_semaphore, #tpu.memory_space<semaphore_mem>>)
      %add3A_921 = arith.constant 7 : i32
      %add3A_922 = arith.addi %mul3A_245, %add3A_921 : i32
      %add3A_923 = arith.constant 4 : i32
      %add3A_924 = arith.addi %add3A_922, %add3A_923 : i32
      %ge3A_925 = arith.constant 8 : i32
      %ge3A_926 = arith.cmpi sge, %add3A_924, %ge3A_925 : i32
      %lt3A_927 = arith.constant 104 : i32
      %lt3A_928 = arith.cmpi slt, %add3A_924, %lt3A_927 : i32
      %and3A_929 = arith.andi %ge3A_926, %lt3A_928 : i1
      %convert_element_type3A_930 = arith.extui %and3A_929 : i1 to i32
      %cond3A_931 = arith.constant 0 : i32
      %cond3A_932 = arith.cmpi ne, %convert_element_type3A_930, %cond3A_931 : i32
      scf.if %cond3A_932 {
        %sub3A_1019 = arith.constant 8 : i32
        %sub3A_1020 = arith.subi %add3A_924, %sub3A_1019 : i32
        %jit3A_1021 = arith.constant 4 : i32
        %div3A_1022 = arith.divsi %sub3A_1020, %jit3A_1021 : i32
        %sign3A_1023 = arith.constant 0 : i32
        %sign3A_1024 = arith.cmpi sgt, %sub3A_1020, %sign3A_1023 : i32
        %sign3A_1025 = arith.extui %sign3A_1024 : i1 to i32
        %sign3A_1026 = arith.constant 0 : i32
        %sign3A_1027 = arith.cmpi slt, %sub3A_1020, %sign3A_1026 : i32
        %sign3A_1028 = arith.extui %sign3A_1027 : i1 to i32
        %sign3A_1029 = arith.subi %sign3A_1025, %sign3A_1028 : i32
        %sign3A_1030 = arith.constant 0 : i32
        %sign3A_1031 = arith.cmpi sgt, %jit3A_1021, %sign3A_1030 : i32
        %sign3A_1032 = arith.extui %sign3A_1031 : i1 to i32
        %sign3A_1033 = arith.constant 0 : i32
        %sign3A_1034 = arith.cmpi slt, %jit3A_1021, %sign3A_1033 : i32
        %sign3A_1035 = arith.extui %sign3A_1034 : i1 to i32
        %sign3A_1036 = arith.subi %sign3A_1032, %sign3A_1035 : i32
        %ne3A_1037 = arith.cmpi ne, %sign3A_1029, %sign3A_1036 : i32
        %rem3A_1038 = arith.remsi %sub3A_1020, %jit3A_1021 : i32
        %ne3A_1039 = arith.constant 0 : i32
        %ne3A_1040 = arith.cmpi ne, %rem3A_1038, %ne3A_1039 : i32
        %and3A_1041 = arith.andi %ne3A_1037, %ne3A_1040 : i1
        %sub3A_1042 = arith.constant 1 : i32
        %sub3A_1043 = arith.subi %div3A_1022, %sub3A_1042 : i32
        %select_n3A_1044 = arith.select %and3A_1041, %sub3A_1043, %div3A_1022 : i32
        %rem3A_1045 = arith.constant 4 : i32
        %rem3A_1046 = arith.remsi %sub3A_1020, %rem3A_1045 : i32
        %mul3A_1047 = arith.constant 128 : i32
        %mul3A_1048 = arith.muli %rem3A_1046, %mul3A_1047 : i32
        %add3A_1049 = arith.addi %mul3A_2, %mul3A_1048 : i32
        %dma_wait3A_1050 = arith.constant 3 : i32
        %dma_wait3A_1051 = arith.constant 0 : i32
        %dma_wait3A_1052 = arith.constant 0 : i32
        %dma_wait3A_1053 = tpu.memref_slice %arg6[%dma_wait3A_1050, %dma_wait3A_1051, %dma_wait3A_1052] : memref<8x128x16xf32, #tpu.memory_space<vmem>> -> memref<1x128x16xf32, #tpu.memory_space<vmem>>
        %dma_wait3A_1054 = tpu.memref_squeeze %dma_wait3A_1053 : memref<1x128x16xf32, #tpu.memory_space<vmem>> -> memref<128x16xf32, #tpu.memory_space<vmem>>
        %dma_wait3A_1055 = arith.constant 0 : i32
        %dma_wait3A_1056 = tpu.memref_slice %arg4[%add3A_1049, %select_n3A_1044, %dma_wait3A_1055] : memref<16384x26x16xf32, #tpu.memory_space<hbm>> -> memref<128x1x16xf32, #tpu.memory_space<hbm>>
        %dma_wait3A_1057 = tpu.memref_squeeze %dma_wait3A_1056 : memref<128x1x16xf32, #tpu.memory_space<hbm>> -> memref<128x16xf32, #tpu.memory_space<hbm>>
        %dma_wait3A_1058 = arith.constant 0 : i32
        %dma_wait3A_1059 = tpu.memref_slice %arg4[%add3A_1049, %select_n3A_1044, %dma_wait3A_1058] : memref<16384x26x16xf32, #tpu.memory_space<hbm>> -> memref<128x1x16xf32, #tpu.memory_space<hbm>>
        %dma_wait3A_1060 = tpu.memref_squeeze %dma_wait3A_1059 : memref<128x1x16xf32, #tpu.memory_space<hbm>> -> memref<128x16xf32, #tpu.memory_space<hbm>>
        %dma_wait3A_1061 = arith.constant 0 : i32
        %dma_wait3A_1062 = arith.constant 0 : i32
        %dma_wait3A_1063 = tpu.memref_slice %arg6[%dma_wait3A_1050, %dma_wait3A_1061, %dma_wait3A_1062] : memref<8x128x16xf32, #tpu.memory_space<vmem>> -> memref<1x128x16xf32, #tpu.memory_space<vmem>>
        %dma_wait3A_1064 = tpu.memref_squeeze %dma_wait3A_1063 : memref<1x128x16xf32, #tpu.memory_space<vmem>> -> memref<128x16xf32, #tpu.memory_space<vmem>>
        tpu.wait_dma2 semaphore(%arg18 : memref<!tpu.dma_semaphore, #tpu.memory_space<semaphore_mem>>) src(%dma_wait3A_1064 : memref<128x16xf32, #tpu.memory_space<vmem>>) dst(%dma_wait3A_1060 : memref<128x16xf32, #tpu.memory_space<hbm>>)
      } else {
      }
      %lt3A_933 = arith.constant 104 : i32
      %lt3A_934 = arith.cmpi slt, %add3A_924, %lt3A_933 : i32
      %convert_element_type3A_935 = arith.extui %lt3A_934 : i1 to i32
      %cond3A_936 = arith.constant 0 : i32
      %cond3A_937 = arith.cmpi ne, %convert_element_type3A_935, %cond3A_936 : i32
      scf.if %cond3A_937 {
        %jit3A_1019 = arith.constant 4 : i32
        %div3A_1020 = arith.divsi %add3A_924, %jit3A_1019 : i32
        %sign3A_1021 = arith.constant 0 : i32
        %sign3A_1022 = arith.cmpi sgt, %add3A_924, %sign3A_1021 : i32
        %sign3A_1023 = arith.extui %sign3A_1022 : i1 to i32
        %sign3A_1024 = arith.constant 0 : i32
        %sign3A_1025 = arith.cmpi slt, %add3A_924, %sign3A_1024 : i32
        %sign3A_1026 = arith.extui %sign3A_1025 : i1 to i32
        %sign3A_1027 = arith.subi %sign3A_1023, %sign3A_1026 : i32
        %sign3A_1028 = arith.constant 0 : i32
        %sign3A_1029 = arith.cmpi sgt, %jit3A_1019, %sign3A_1028 : i32
        %sign3A_1030 = arith.extui %sign3A_1029 : i1 to i32
        %sign3A_1031 = arith.constant 0 : i32
        %sign3A_1032 = arith.cmpi slt, %jit3A_1019, %sign3A_1031 : i32
        %sign3A_1033 = arith.extui %sign3A_1032 : i1 to i32
        %sign3A_1034 = arith.subi %sign3A_1030, %sign3A_1033 : i32
        %ne3A_1035 = arith.cmpi ne, %sign3A_1027, %sign3A_1034 : i32
        %rem3A_1036 = arith.remsi %add3A_924, %jit3A_1019 : i32
        %ne3A_1037 = arith.constant 0 : i32
        %ne3A_1038 = arith.cmpi ne, %rem3A_1036, %ne3A_1037 : i32
        %and3A_1039 = arith.andi %ne3A_1035, %ne3A_1038 : i1
        %sub3A_1040 = arith.constant 1 : i32
        %sub3A_1041 = arith.subi %div3A_1020, %sub3A_1040 : i32
        %select_n3A_1042 = arith.select %and3A_1039, %sub3A_1041, %div3A_1020 : i32
        %rem3A_1043 = arith.constant 4 : i32
        %rem3A_1044 = arith.remsi %add3A_924, %rem3A_1043 : i32
        %dma_start3A_1045 = arith.constant 3 : i32
        %dma_start3A_1046 = arith.constant 0 : i32
        %dma_start3A_1047 = arith.constant 0 : i32
        %dma_start3A_1048 = tpu.memref_slice %arg6[%dma_start3A_1045, %dma_start3A_1046, %dma_start3A_1047] : memref<8x128x16xf32, #tpu.memory_space<vmem>> -> memref<1x128x16xf32, #tpu.memory_space<vmem>>
        %dma_start3A_1049 = tpu.memref_squeeze %dma_start3A_1048 : memref<1x128x16xf32, #tpu.memory_space<vmem>> -> memref<128x16xf32, #tpu.memory_space<vmem>>
        %dma_start3A_1050 = arith.constant 0 : i32
        %dma_start3A_1051 = tpu.memref_slice %arg5[%select_n3A_1042, %rem3A_1044, %dma_start3A_1050] : memref<26x4x128xi32, #tpu.memory_space<vmem>> -> memref<1x1x128xi32, #tpu.memory_space<vmem>>
        %dma_start3A_1052 = tpu.memref_squeeze %dma_start3A_1051 : memref<1x1x128xi32, #tpu.memory_space<vmem>> -> memref<128xi32, #tpu.memory_space<vmem>>
        %dma_start3A_1053 = arith.constant 0 : i32
        %dma_start3A_1054 = arith.constant 0 : i32
        %dma_start3A_1055 = tpu.memref_slice %arg3[%dma_start3A_1053, %dma_start3A_1054] : memref<2600000x16xf32, #tpu.memory_space<hbm>> -> memref<2600000x16xf32, #tpu.memory_space<hbm>>
        tpu.enqueue_indirect_dma source(%dma_start3A_1055 : memref<2600000x16xf32, #tpu.memory_space<hbm>>) target(%dma_start3A_1049 : memref<128x16xf32, #tpu.memory_space<vmem>>) offsets(%dma_start3A_1052 : memref<128xi32, #tpu.memory_space<vmem>>) semaphore(%arg10 : memref<!tpu.dma_semaphore, #tpu.memory_space<semaphore_mem>>)
      } else {
      }
      %jit3A_938 = arith.constant 4 : i32
      %div3A_939 = arith.divsi %add3A_922, %jit3A_938 : i32
      %sign3A_940 = arith.constant 0 : i32
      %sign3A_941 = arith.cmpi sgt, %add3A_922, %sign3A_940 : i32
      %sign3A_942 = arith.extui %sign3A_941 : i1 to i32
      %sign3A_943 = arith.constant 0 : i32
      %sign3A_944 = arith.cmpi slt, %add3A_922, %sign3A_943 : i32
      %sign3A_945 = arith.extui %sign3A_944 : i1 to i32
      %sign3A_946 = arith.subi %sign3A_942, %sign3A_945 : i32
      %sign3A_947 = arith.constant 0 : i32
      %sign3A_948 = arith.cmpi sgt, %jit3A_938, %sign3A_947 : i32
      %sign3A_949 = arith.extui %sign3A_948 : i1 to i32
      %sign3A_950 = arith.constant 0 : i32
      %sign3A_951 = arith.cmpi slt, %jit3A_938, %sign3A_950 : i32
      %sign3A_952 = arith.extui %sign3A_951 : i1 to i32
      %sign3A_953 = arith.subi %sign3A_949, %sign3A_952 : i32
      %ne3A_954 = arith.cmpi ne, %sign3A_946, %sign3A_953 : i32
      %rem3A_955 = arith.remsi %add3A_922, %jit3A_938 : i32
      %ne3A_956 = arith.constant 0 : i32
      %ne3A_957 = arith.cmpi ne, %rem3A_955, %ne3A_956 : i32
      %and3A_958 = arith.andi %ne3A_954, %ne3A_957 : i1
      %sub3A_959 = arith.constant 1 : i32
      %sub3A_960 = arith.subi %div3A_939, %sub3A_959 : i32
      %select_n3A_961 = arith.select %and3A_958, %sub3A_960, %div3A_939 : i32
      %rem3A_962 = arith.constant 4 : i32
      %rem3A_963 = arith.remsi %add3A_922, %rem3A_962 : i32
      %dma_wait3A_964 = arith.constant 7 : i32
      %dma_wait3A_965 = arith.constant 0 : i32
      %dma_wait3A_966 = arith.constant 0 : i32
      %dma_wait3A_967 = tpu.memref_slice %arg6[%dma_wait3A_964, %dma_wait3A_965, %dma_wait3A_966] : memref<8x128x16xf32, #tpu.memory_space<vmem>> -> memref<1x128x16xf32, #tpu.memory_space<vmem>>
      %dma_wait3A_968 = tpu.memref_squeeze %dma_wait3A_967 : memref<1x128x16xf32, #tpu.memory_space<vmem>> -> memref<128x16xf32, #tpu.memory_space<vmem>>
      %dma_wait3A_969 = arith.constant 0 : i32
      %dma_wait3A_970 = tpu.memref_slice %arg5[%select_n3A_961, %rem3A_963, %dma_wait3A_969] : memref<26x4x128xi32, #tpu.memory_space<vmem>> -> memref<1x1x128xi32, #tpu.memory_space<vmem>>
      %dma_wait3A_971 = tpu.memref_squeeze %dma_wait3A_970 : memref<1x1x128xi32, #tpu.memory_space<vmem>> -> memref<128xi32, #tpu.memory_space<vmem>>
      %dma_wait3A_972 = arith.constant 0 : i32
      %dma_wait3A_973 = arith.constant 0 : i32
      %dma_wait3A_974 = tpu.memref_slice %arg3[%dma_wait3A_972, %dma_wait3A_973] : memref<2600000x16xf32, #tpu.memory_space<hbm>> -> memref<2600000x16xf32, #tpu.memory_space<hbm>>
      tpu.wait_indirect_dma semaphore(%arg14 : memref<!tpu.dma_semaphore, #tpu.memory_space<semaphore_mem>>) src(%dma_wait3A_974 : memref<2600000x16xf32, #tpu.memory_space<hbm>>) dst(%dma_wait3A_968 : memref<128x16xf32, #tpu.memory_space<vmem>>)
      %jit3A_975 = arith.constant 4 : i32
      %div3A_976 = arith.divsi %add3A_922, %jit3A_975 : i32
      %sign3A_977 = arith.constant 0 : i32
      %sign3A_978 = arith.cmpi sgt, %add3A_922, %sign3A_977 : i32
      %sign3A_979 = arith.extui %sign3A_978 : i1 to i32
      %sign3A_980 = arith.constant 0 : i32
      %sign3A_981 = arith.cmpi slt, %add3A_922, %sign3A_980 : i32
      %sign3A_982 = arith.extui %sign3A_981 : i1 to i32
      %sign3A_983 = arith.subi %sign3A_979, %sign3A_982 : i32
      %sign3A_984 = arith.constant 0 : i32
      %sign3A_985 = arith.cmpi sgt, %jit3A_975, %sign3A_984 : i32
      %sign3A_986 = arith.extui %sign3A_985 : i1 to i32
      %sign3A_987 = arith.constant 0 : i32
      %sign3A_988 = arith.cmpi slt, %jit3A_975, %sign3A_987 : i32
      %sign3A_989 = arith.extui %sign3A_988 : i1 to i32
      %sign3A_990 = arith.subi %sign3A_986, %sign3A_989 : i32
      %ne3A_991 = arith.cmpi ne, %sign3A_983, %sign3A_990 : i32
      %rem3A_992 = arith.remsi %add3A_922, %jit3A_975 : i32
      %ne3A_993 = arith.constant 0 : i32
      %ne3A_994 = arith.cmpi ne, %rem3A_992, %ne3A_993 : i32
      %and3A_995 = arith.andi %ne3A_991, %ne3A_994 : i1
      %sub3A_996 = arith.constant 1 : i32
      %sub3A_997 = arith.subi %div3A_976, %sub3A_996 : i32
      %select_n3A_998 = arith.select %and3A_995, %sub3A_997, %div3A_976 : i32
      %rem3A_999 = arith.constant 4 : i32
      %rem3A_1000 = arith.remsi %add3A_922, %rem3A_999 : i32
      %mul3A_1001 = arith.constant 128 : i32
      %mul3A_1002 = arith.muli %rem3A_1000, %mul3A_1001 : i32
      %add3A_1003 = arith.addi %mul3A_2, %mul3A_1002 : i32
      %dma_start3A_1004 = arith.constant 7 : i32
      %dma_start3A_1005 = arith.constant 0 : i32
      %dma_start3A_1006 = arith.constant 0 : i32
      %dma_start3A_1007 = tpu.memref_slice %arg6[%dma_start3A_1004, %dma_start3A_1005, %dma_start3A_1006] : memref<8x128x16xf32, #tpu.memory_space<vmem>> -> memref<1x128x16xf32, #tpu.memory_space<vmem>>
      %dma_start3A_1008 = tpu.memref_squeeze %dma_start3A_1007 : memref<1x128x16xf32, #tpu.memory_space<vmem>> -> memref<128x16xf32, #tpu.memory_space<vmem>>
      %dma_start3A_1009 = arith.constant 0 : i32
      %dma_start3A_1010 = tpu.memref_slice %arg4[%add3A_1003, %select_n3A_998, %dma_start3A_1009] : memref<16384x26x16xf32, #tpu.memory_space<hbm>> -> memref<128x1x16xf32, #tpu.memory_space<hbm>>
      %dma_start3A_1011 = tpu.memref_squeeze %dma_start3A_1010 : memref<128x1x16xf32, #tpu.memory_space<hbm>> -> memref<128x16xf32, #tpu.memory_space<hbm>>
      %dma_start3A_1012 = arith.constant 0 : i32
      %dma_start3A_1013 = tpu.memref_slice %arg4[%add3A_1003, %select_n3A_998, %dma_start3A_1012] : memref<16384x26x16xf32, #tpu.memory_space<hbm>> -> memref<128x1x16xf32, #tpu.memory_space<hbm>>
      %dma_start3A_1014 = tpu.memref_squeeze %dma_start3A_1013 : memref<128x1x16xf32, #tpu.memory_space<hbm>> -> memref<128x16xf32, #tpu.memory_space<hbm>>
      %dma_start3A_1015 = arith.constant 0 : i32
      %dma_start3A_1016 = arith.constant 0 : i32
      %dma_start3A_1017 = tpu.memref_slice %arg6[%dma_start3A_1004, %dma_start3A_1015, %dma_start3A_1016] : memref<8x128x16xf32, #tpu.memory_space<vmem>> -> memref<1x128x16xf32, #tpu.memory_space<vmem>>
      %dma_start3A_1018 = tpu.memref_squeeze %dma_start3A_1017 : memref<1x128x16xf32, #tpu.memory_space<vmem>> -> memref<128x16xf32, #tpu.memory_space<vmem>>
      tpu.enqueue_dma source(%dma_start3A_1018 : memref<128x16xf32, #tpu.memory_space<vmem>>) target(%dma_start3A_1014 : memref<128x16xf32, #tpu.memory_space<hbm>>) target_semaphore(%arg22 : memref<!tpu.dma_semaphore, #tpu.memory_space<semaphore_mem>>)
    }
    %scan3A_67 = arith.constant 13 : i32
    %rem3A_68 = arith.constant 96 : i32
    %rem3A_69 = arith.constant 4 : i32
    %rem3A_70 = arith.remsi %rem3A_68, %rem3A_69 : i32
    %mul3A_71 = arith.constant 128 : i32
    %mul3A_72 = arith.muli %rem3A_70, %mul3A_71 : i32
    %add3A_73 = arith.addi %mul3A_2, %mul3A_72 : i32
    %dma_wait3A = arith.constant 0 : i32
    %dma_wait3A_74 = arith.constant 24 : i32
    %dma_wait3A_75 = arith.constant 0 : i32
    %dma_wait3A_76 = arith.constant 0 : i32
    %dma_wait3A_77 = tpu.memref_slice %arg6[%dma_wait3A, %dma_wait3A_75, %dma_wait3A_76] : memref<8x128x16xf32, #tpu.memory_space<vmem>> -> memref<1x128x16xf32, #tpu.memory_space<vmem>>
    %dma_wait3A_78 = tpu.memref_squeeze %dma_wait3A_77 : memref<1x128x16xf32, #tpu.memory_space<vmem>> -> memref<128x16xf32, #tpu.memory_space<vmem>>
    %dma_wait3A_79 = arith.constant 0 : i32
    %dma_wait3A_80 = tpu.memref_slice %arg4[%add3A_73, %dma_wait3A_74, %dma_wait3A_79] : memref<16384x26x16xf32, #tpu.memory_space<hbm>> -> memref<128x1x16xf32, #tpu.memory_space<hbm>>
    %dma_wait3A_81 = tpu.memref_squeeze %dma_wait3A_80 : memref<128x1x16xf32, #tpu.memory_space<hbm>> -> memref<128x16xf32, #tpu.memory_space<hbm>>
    %dma_wait3A_82 = arith.constant 0 : i32
    %dma_wait3A_83 = tpu.memref_slice %arg4[%add3A_73, %dma_wait3A_74, %dma_wait3A_82] : memref<16384x26x16xf32, #tpu.memory_space<hbm>> -> memref<128x1x16xf32, #tpu.memory_space<hbm>>
    %dma_wait3A_84 = tpu.memref_squeeze %dma_wait3A_83 : memref<128x1x16xf32, #tpu.memory_space<hbm>> -> memref<128x16xf32, #tpu.memory_space<hbm>>
    %dma_wait3A_85 = arith.constant 0 : i32
    %dma_wait3A_86 = arith.constant 0 : i32
    %dma_wait3A_87 = tpu.memref_slice %arg6[%dma_wait3A, %dma_wait3A_85, %dma_wait3A_86] : memref<8x128x16xf32, #tpu.memory_space<vmem>> -> memref<1x128x16xf32, #tpu.memory_space<vmem>>
    %dma_wait3A_88 = tpu.memref_squeeze %dma_wait3A_87 : memref<1x128x16xf32, #tpu.memory_space<vmem>> -> memref<128x16xf32, #tpu.memory_space<vmem>>
    tpu.wait_dma2 semaphore(%arg15 : memref<!tpu.dma_semaphore, #tpu.memory_space<semaphore_mem>>) src(%dma_wait3A_88 : memref<128x16xf32, #tpu.memory_space<vmem>>) dst(%dma_wait3A_84 : memref<128x16xf32, #tpu.memory_space<hbm>>)
    %rem3A_89 = arith.constant 97 : i32
    %rem3A_90 = arith.constant 4 : i32
    %rem3A_91 = arith.remsi %rem3A_89, %rem3A_90 : i32
    %mul3A_92 = arith.constant 128 : i32
    %mul3A_93 = arith.muli %rem3A_91, %mul3A_92 : i32
    %add3A_94 = arith.addi %mul3A_2, %mul3A_93 : i32
    %dma_wait3A_95 = arith.constant 1 : i32
    %dma_wait3A_96 = arith.constant 24 : i32
    %dma_wait3A_97 = arith.constant 0 : i32
    %dma_wait3A_98 = arith.constant 0 : i32
    %dma_wait3A_99 = tpu.memref_slice %arg6[%dma_wait3A_95, %dma_wait3A_97, %dma_wait3A_98] : memref<8x128x16xf32, #tpu.memory_space<vmem>> -> memref<1x128x16xf32, #tpu.memory_space<vmem>>
    %dma_wait3A_100 = tpu.memref_squeeze %dma_wait3A_99 : memref<1x128x16xf32, #tpu.memory_space<vmem>> -> memref<128x16xf32, #tpu.memory_space<vmem>>
    %dma_wait3A_101 = arith.constant 0 : i32
    %dma_wait3A_102 = tpu.memref_slice %arg4[%add3A_94, %dma_wait3A_96, %dma_wait3A_101] : memref<16384x26x16xf32, #tpu.memory_space<hbm>> -> memref<128x1x16xf32, #tpu.memory_space<hbm>>
    %dma_wait3A_103 = tpu.memref_squeeze %dma_wait3A_102 : memref<128x1x16xf32, #tpu.memory_space<hbm>> -> memref<128x16xf32, #tpu.memory_space<hbm>>
    %dma_wait3A_104 = arith.constant 0 : i32
    %dma_wait3A_105 = tpu.memref_slice %arg4[%add3A_94, %dma_wait3A_96, %dma_wait3A_104] : memref<16384x26x16xf32, #tpu.memory_space<hbm>> -> memref<128x1x16xf32, #tpu.memory_space<hbm>>
    %dma_wait3A_106 = tpu.memref_squeeze %dma_wait3A_105 : memref<128x1x16xf32, #tpu.memory_space<hbm>> -> memref<128x16xf32, #tpu.memory_space<hbm>>
    %dma_wait3A_107 = arith.constant 0 : i32
    %dma_wait3A_108 = arith.constant 0 : i32
    %dma_wait3A_109 = tpu.memref_slice %arg6[%dma_wait3A_95, %dma_wait3A_107, %dma_wait3A_108] : memref<8x128x16xf32, #tpu.memory_space<vmem>> -> memref<1x128x16xf32, #tpu.memory_space<vmem>>
    %dma_wait3A_110 = tpu.memref_squeeze %dma_wait3A_109 : memref<1x128x16xf32, #tpu.memory_space<vmem>> -> memref<128x16xf32, #tpu.memory_space<vmem>>
    tpu.wait_dma2 semaphore(%arg16 : memref<!tpu.dma_semaphore, #tpu.memory_space<semaphore_mem>>) src(%dma_wait3A_110 : memref<128x16xf32, #tpu.memory_space<vmem>>) dst(%dma_wait3A_106 : memref<128x16xf32, #tpu.memory_space<hbm>>)
    %rem3A_111 = arith.constant 98 : i32
    %rem3A_112 = arith.constant 4 : i32
    %rem3A_113 = arith.remsi %rem3A_111, %rem3A_112 : i32
    %mul3A_114 = arith.constant 128 : i32
    %mul3A_115 = arith.muli %rem3A_113, %mul3A_114 : i32
    %add3A_116 = arith.addi %mul3A_2, %mul3A_115 : i32
    %dma_wait3A_117 = arith.constant 2 : i32
    %dma_wait3A_118 = arith.constant 24 : i32
    %dma_wait3A_119 = arith.constant 0 : i32
    %dma_wait3A_120 = arith.constant 0 : i32
    %dma_wait3A_121 = tpu.memref_slice %arg6[%dma_wait3A_117, %dma_wait3A_119, %dma_wait3A_120] : memref<8x128x16xf32, #tpu.memory_space<vmem>> -> memref<1x128x16xf32, #tpu.memory_space<vmem>>
    %dma_wait3A_122 = tpu.memref_squeeze %dma_wait3A_121 : memref<1x128x16xf32, #tpu.memory_space<vmem>> -> memref<128x16xf32, #tpu.memory_space<vmem>>
    %dma_wait3A_123 = arith.constant 0 : i32
    %dma_wait3A_124 = tpu.memref_slice %arg4[%add3A_116, %dma_wait3A_118, %dma_wait3A_123] : memref<16384x26x16xf32, #tpu.memory_space<hbm>> -> memref<128x1x16xf32, #tpu.memory_space<hbm>>
    %dma_wait3A_125 = tpu.memref_squeeze %dma_wait3A_124 : memref<128x1x16xf32, #tpu.memory_space<hbm>> -> memref<128x16xf32, #tpu.memory_space<hbm>>
    %dma_wait3A_126 = arith.constant 0 : i32
    %dma_wait3A_127 = tpu.memref_slice %arg4[%add3A_116, %dma_wait3A_118, %dma_wait3A_126] : memref<16384x26x16xf32, #tpu.memory_space<hbm>> -> memref<128x1x16xf32, #tpu.memory_space<hbm>>
    %dma_wait3A_128 = tpu.memref_squeeze %dma_wait3A_127 : memref<128x1x16xf32, #tpu.memory_space<hbm>> -> memref<128x16xf32, #tpu.memory_space<hbm>>
    %dma_wait3A_129 = arith.constant 0 : i32
    %dma_wait3A_130 = arith.constant 0 : i32
    %dma_wait3A_131 = tpu.memref_slice %arg6[%dma_wait3A_117, %dma_wait3A_129, %dma_wait3A_130] : memref<8x128x16xf32, #tpu.memory_space<vmem>> -> memref<1x128x16xf32, #tpu.memory_space<vmem>>
    %dma_wait3A_132 = tpu.memref_squeeze %dma_wait3A_131 : memref<1x128x16xf32, #tpu.memory_space<vmem>> -> memref<128x16xf32, #tpu.memory_space<vmem>>
    tpu.wait_dma2 semaphore(%arg17 : memref<!tpu.dma_semaphore, #tpu.memory_space<semaphore_mem>>) src(%dma_wait3A_132 : memref<128x16xf32, #tpu.memory_space<vmem>>) dst(%dma_wait3A_128 : memref<128x16xf32, #tpu.memory_space<hbm>>)
    %rem3A_133 = arith.constant 99 : i32
    %rem3A_134 = arith.constant 4 : i32
    %rem3A_135 = arith.remsi %rem3A_133, %rem3A_134 : i32
    %mul3A_136 = arith.constant 128 : i32
    %mul3A_137 = arith.muli %rem3A_135, %mul3A_136 : i32
    %add3A_138 = arith.addi %mul3A_2, %mul3A_137 : i32
    %dma_wait3A_139 = arith.constant 3 : i32
    %dma_wait3A_140 = arith.constant 24 : i32
    %dma_wait3A_141 = arith.constant 0 : i32
    %dma_wait3A_142 = arith.constant 0 : i32
    %dma_wait3A_143 = tpu.memref_slice %arg6[%dma_wait3A_139, %dma_wait3A_141, %dma_wait3A_142] : memref<8x128x16xf32, #tpu.memory_space<vmem>> -> memref<1x128x16xf32, #tpu.memory_space<vmem>>
    %dma_wait3A_144 = tpu.memref_squeeze %dma_wait3A_143 : memref<1x128x16xf32, #tpu.memory_space<vmem>> -> memref<128x16xf32, #tpu.memory_space<vmem>>
    %dma_wait3A_145 = arith.constant 0 : i32
    %dma_wait3A_146 = tpu.memref_slice %arg4[%add3A_138, %dma_wait3A_140, %dma_wait3A_145] : memref<16384x26x16xf32, #tpu.memory_space<hbm>> -> memref<128x1x16xf32, #tpu.memory_space<hbm>>
    %dma_wait3A_147 = tpu.memref_squeeze %dma_wait3A_146 : memref<128x1x16xf32, #tpu.memory_space<hbm>> -> memref<128x16xf32, #tpu.memory_space<hbm>>
    %dma_wait3A_148 = arith.constant 0 : i32
    %dma_wait3A_149 = tpu.memref_slice %arg4[%add3A_138, %dma_wait3A_140, %dma_wait3A_148] : memref<16384x26x16xf32, #tpu.memory_space<hbm>> -> memref<128x1x16xf32, #tpu.memory_space<hbm>>
    %dma_wait3A_150 = tpu.memref_squeeze %dma_wait3A_149 : memref<128x1x16xf32, #tpu.memory_space<hbm>> -> memref<128x16xf32, #tpu.memory_space<hbm>>
    %dma_wait3A_151 = arith.constant 0 : i32
    %dma_wait3A_152 = arith.constant 0 : i32
    %dma_wait3A_153 = tpu.memref_slice %arg6[%dma_wait3A_139, %dma_wait3A_151, %dma_wait3A_152] : memref<8x128x16xf32, #tpu.memory_space<vmem>> -> memref<1x128x16xf32, #tpu.memory_space<vmem>>
    %dma_wait3A_154 = tpu.memref_squeeze %dma_wait3A_153 : memref<1x128x16xf32, #tpu.memory_space<vmem>> -> memref<128x16xf32, #tpu.memory_space<vmem>>
    tpu.wait_dma2 semaphore(%arg18 : memref<!tpu.dma_semaphore, #tpu.memory_space<semaphore_mem>>) src(%dma_wait3A_154 : memref<128x16xf32, #tpu.memory_space<vmem>>) dst(%dma_wait3A_150 : memref<128x16xf32, #tpu.memory_space<hbm>>)
    %rem3A_155 = arith.constant 100 : i32
    %rem3A_156 = arith.constant 4 : i32
    %rem3A_157 = arith.remsi %rem3A_155, %rem3A_156 : i32
    %mul3A_158 = arith.constant 128 : i32
    %mul3A_159 = arith.muli %rem3A_157, %mul3A_158 : i32
    %add3A_160 = arith.addi %mul3A_2, %mul3A_159 : i32
    %dma_wait3A_161 = arith.constant 4 : i32
    %dma_wait3A_162 = arith.constant 25 : i32
    %dma_wait3A_163 = arith.constant 0 : i32
    %dma_wait3A_164 = arith.constant 0 : i32
    %dma_wait3A_165 = tpu.memref_slice %arg6[%dma_wait3A_161, %dma_wait3A_163, %dma_wait3A_164] : memref<8x128x16xf32, #tpu.memory_space<vmem>> -> memref<1x128x16xf32, #tpu.memory_space<vmem>>
    %dma_wait3A_166 = tpu.memref_squeeze %dma_wait3A_165 : memref<1x128x16xf32, #tpu.memory_space<vmem>> -> memref<128x16xf32, #tpu.memory_space<vmem>>
    %dma_wait3A_167 = arith.constant 0 : i32
    %dma_wait3A_168 = tpu.memref_slice %arg4[%add3A_160, %dma_wait3A_162, %dma_wait3A_167] : memref<16384x26x16xf32, #tpu.memory_space<hbm>> -> memref<128x1x16xf32, #tpu.memory_space<hbm>>
    %dma_wait3A_169 = tpu.memref_squeeze %dma_wait3A_168 : memref<128x1x16xf32, #tpu.memory_space<hbm>> -> memref<128x16xf32, #tpu.memory_space<hbm>>
    %dma_wait3A_170 = arith.constant 0 : i32
    %dma_wait3A_171 = tpu.memref_slice %arg4[%add3A_160, %dma_wait3A_162, %dma_wait3A_170] : memref<16384x26x16xf32, #tpu.memory_space<hbm>> -> memref<128x1x16xf32, #tpu.memory_space<hbm>>
    %dma_wait3A_172 = tpu.memref_squeeze %dma_wait3A_171 : memref<128x1x16xf32, #tpu.memory_space<hbm>> -> memref<128x16xf32, #tpu.memory_space<hbm>>
    %dma_wait3A_173 = arith.constant 0 : i32
    %dma_wait3A_174 = arith.constant 0 : i32
    %dma_wait3A_175 = tpu.memref_slice %arg6[%dma_wait3A_161, %dma_wait3A_173, %dma_wait3A_174] : memref<8x128x16xf32, #tpu.memory_space<vmem>> -> memref<1x128x16xf32, #tpu.memory_space<vmem>>
    %dma_wait3A_176 = tpu.memref_squeeze %dma_wait3A_175 : memref<1x128x16xf32, #tpu.memory_space<vmem>> -> memref<128x16xf32, #tpu.memory_space<vmem>>
    tpu.wait_dma2 semaphore(%arg19 : memref<!tpu.dma_semaphore, #tpu.memory_space<semaphore_mem>>) src(%dma_wait3A_176 : memref<128x16xf32, #tpu.memory_space<vmem>>) dst(%dma_wait3A_172 : memref<128x16xf32, #tpu.memory_space<hbm>>)
    %rem3A_177 = arith.constant 101 : i32
    %rem3A_178 = arith.constant 4 : i32
    %rem3A_179 = arith.remsi %rem3A_177, %rem3A_178 : i32
    %mul3A_180 = arith.constant 128 : i32
    %mul3A_181 = arith.muli %rem3A_179, %mul3A_180 : i32
    %add3A_182 = arith.addi %mul3A_2, %mul3A_181 : i32
    %dma_wait3A_183 = arith.constant 5 : i32
    %dma_wait3A_184 = arith.constant 25 : i32
    %dma_wait3A_185 = arith.constant 0 : i32
    %dma_wait3A_186 = arith.constant 0 : i32
    %dma_wait3A_187 = tpu.memref_slice %arg6[%dma_wait3A_183, %dma_wait3A_185, %dma_wait3A_186] : memref<8x128x16xf32, #tpu.memory_space<vmem>> -> memref<1x128x16xf32, #tpu.memory_space<vmem>>
    %dma_wait3A_188 = tpu.memref_squeeze %dma_wait3A_187 : memref<1x128x16xf32, #tpu.memory_space<vmem>> -> memref<128x16xf32, #tpu.memory_space<vmem>>
    %dma_wait3A_189 = arith.constant 0 : i32
    %dma_wait3A_190 = tpu.memref_slice %arg4[%add3A_182, %dma_wait3A_184, %dma_wait3A_189] : memref<16384x26x16xf32, #tpu.memory_space<hbm>> -> memref<128x1x16xf32, #tpu.memory_space<hbm>>
    %dma_wait3A_191 = tpu.memref_squeeze %dma_wait3A_190 : memref<128x1x16xf32, #tpu.memory_space<hbm>> -> memref<128x16xf32, #tpu.memory_space<hbm>>
    %dma_wait3A_192 = arith.constant 0 : i32
    %dma_wait3A_193 = tpu.memref_slice %arg4[%add3A_182, %dma_wait3A_184, %dma_wait3A_192] : memref<16384x26x16xf32, #tpu.memory_space<hbm>> -> memref<128x1x16xf32, #tpu.memory_space<hbm>>
    %dma_wait3A_194 = tpu.memref_squeeze %dma_wait3A_193 : memref<128x1x16xf32, #tpu.memory_space<hbm>> -> memref<128x16xf32, #tpu.memory_space<hbm>>
    %dma_wait3A_195 = arith.constant 0 : i32
    %dma_wait3A_196 = arith.constant 0 : i32
    %dma_wait3A_197 = tpu.memref_slice %arg6[%dma_wait3A_183, %dma_wait3A_195, %dma_wait3A_196] : memref<8x128x16xf32, #tpu.memory_space<vmem>> -> memref<1x128x16xf32, #tpu.memory_space<vmem>>
    %dma_wait3A_198 = tpu.memref_squeeze %dma_wait3A_197 : memref<1x128x16xf32, #tpu.memory_space<vmem>> -> memref<128x16xf32, #tpu.memory_space<vmem>>
    tpu.wait_dma2 semaphore(%arg20 : memref<!tpu.dma_semaphore, #tpu.memory_space<semaphore_mem>>) src(%dma_wait3A_198 : memref<128x16xf32, #tpu.memory_space<vmem>>) dst(%dma_wait3A_194 : memref<128x16xf32, #tpu.memory_space<hbm>>)
    %rem3A_199 = arith.constant 102 : i32
    %rem3A_200 = arith.constant 4 : i32
    %rem3A_201 = arith.remsi %rem3A_199, %rem3A_200 : i32
    %mul3A_202 = arith.constant 128 : i32
    %mul3A_203 = arith.muli %rem3A_201, %mul3A_202 : i32
    %add3A_204 = arith.addi %mul3A_2, %mul3A_203 : i32
    %dma_wait3A_205 = arith.constant 6 : i32
    %dma_wait3A_206 = arith.constant 25 : i32
    %dma_wait3A_207 = arith.constant 0 : i32
    %dma_wait3A_208 = arith.constant 0 : i32
    %dma_wait3A_209 = tpu.memref_slice %arg6[%dma_wait3A_205, %dma_wait3A_207, %dma_wait3A_208] : memref<8x128x16xf32, #tpu.memory_space<vmem>> -> memref<1x128x16xf32, #tpu.memory_space<vmem>>
    %dma_wait3A_210 = tpu.memref_squeeze %dma_wait3A_209 : memref<1x128x16xf32, #tpu.memory_space<vmem>> -> memref<128x16xf32, #tpu.memory_space<vmem>>
    %dma_wait3A_211 = arith.constant 0 : i32
    %dma_wait3A_212 = tpu.memref_slice %arg4[%add3A_204, %dma_wait3A_206, %dma_wait3A_211] : memref<16384x26x16xf32, #tpu.memory_space<hbm>> -> memref<128x1x16xf32, #tpu.memory_space<hbm>>
    %dma_wait3A_213 = tpu.memref_squeeze %dma_wait3A_212 : memref<128x1x16xf32, #tpu.memory_space<hbm>> -> memref<128x16xf32, #tpu.memory_space<hbm>>
    %dma_wait3A_214 = arith.constant 0 : i32
    %dma_wait3A_215 = tpu.memref_slice %arg4[%add3A_204, %dma_wait3A_206, %dma_wait3A_214] : memref<16384x26x16xf32, #tpu.memory_space<hbm>> -> memref<128x1x16xf32, #tpu.memory_space<hbm>>
    %dma_wait3A_216 = tpu.memref_squeeze %dma_wait3A_215 : memref<128x1x16xf32, #tpu.memory_space<hbm>> -> memref<128x16xf32, #tpu.memory_space<hbm>>
    %dma_wait3A_217 = arith.constant 0 : i32
    %dma_wait3A_218 = arith.constant 0 : i32
    %dma_wait3A_219 = tpu.memref_slice %arg6[%dma_wait3A_205, %dma_wait3A_217, %dma_wait3A_218] : memref<8x128x16xf32, #tpu.memory_space<vmem>> -> memref<1x128x16xf32, #tpu.memory_space<vmem>>
    %dma_wait3A_220 = tpu.memref_squeeze %dma_wait3A_219 : memref<1x128x16xf32, #tpu.memory_space<vmem>> -> memref<128x16xf32, #tpu.memory_space<vmem>>
    tpu.wait_dma2 semaphore(%arg21 : memref<!tpu.dma_semaphore, #tpu.memory_space<semaphore_mem>>) src(%dma_wait3A_220 : memref<128x16xf32, #tpu.memory_space<vmem>>) dst(%dma_wait3A_216 : memref<128x16xf32, #tpu.memory_space<hbm>>)
    %rem3A_221 = arith.constant 103 : i32
    %rem3A_222 = arith.constant 4 : i32
    %rem3A_223 = arith.remsi %rem3A_221, %rem3A_222 : i32
    %mul3A_224 = arith.constant 128 : i32
    %mul3A_225 = arith.muli %rem3A_223, %mul3A_224 : i32
    %add3A_226 = arith.addi %mul3A_2, %mul3A_225 : i32
    %dma_wait3A_227 = arith.constant 7 : i32
    %dma_wait3A_228 = arith.constant 25 : i32
    %dma_wait3A_229 = arith.constant 0 : i32
    %dma_wait3A_230 = arith.constant 0 : i32
    %dma_wait3A_231 = tpu.memref_slice %arg6[%dma_wait3A_227, %dma_wait3A_229, %dma_wait3A_230] : memref<8x128x16xf32, #tpu.memory_space<vmem>> -> memref<1x128x16xf32, #tpu.memory_space<vmem>>
    %dma_wait3A_232 = tpu.memref_squeeze %dma_wait3A_231 : memref<1x128x16xf32, #tpu.memory_space<vmem>> -> memref<128x16xf32, #tpu.memory_space<vmem>>
    %dma_wait3A_233 = arith.constant 0 : i32
    %dma_wait3A_234 = tpu.memref_slice %arg4[%add3A_226, %dma_wait3A_228, %dma_wait3A_233] : memref<16384x26x16xf32, #tpu.memory_space<hbm>> -> memref<128x1x16xf32, #tpu.memory_space<hbm>>
    %dma_wait3A_235 = tpu.memref_squeeze %dma_wait3A_234 : memref<128x1x16xf32, #tpu.memory_space<hbm>> -> memref<128x16xf32, #tpu.memory_space<hbm>>
    %dma_wait3A_236 = arith.constant 0 : i32
    %dma_wait3A_237 = tpu.memref_slice %arg4[%add3A_226, %dma_wait3A_228, %dma_wait3A_236] : memref<16384x26x16xf32, #tpu.memory_space<hbm>> -> memref<128x1x16xf32, #tpu.memory_space<hbm>>
    %dma_wait3A_238 = tpu.memref_squeeze %dma_wait3A_237 : memref<128x1x16xf32, #tpu.memory_space<hbm>> -> memref<128x16xf32, #tpu.memory_space<hbm>>
    %dma_wait3A_239 = arith.constant 0 : i32
    %dma_wait3A_240 = arith.constant 0 : i32
    %dma_wait3A_241 = tpu.memref_slice %arg6[%dma_wait3A_227, %dma_wait3A_239, %dma_wait3A_240] : memref<8x128x16xf32, #tpu.memory_space<vmem>> -> memref<1x128x16xf32, #tpu.memory_space<vmem>>
    %dma_wait3A_242 = tpu.memref_squeeze %dma_wait3A_241 : memref<1x128x16xf32, #tpu.memory_space<vmem>> -> memref<128x16xf32, #tpu.memory_space<vmem>>
    tpu.wait_dma2 semaphore(%arg22 : memref<!tpu.dma_semaphore, #tpu.memory_space<semaphore_mem>>) src(%dma_wait3A_242 : memref<128x16xf32, #tpu.memory_space<vmem>>) dst(%dma_wait3A_238 : memref<128x16xf32, #tpu.memory_space<hbm>>)
    return
  }
}

</mosaic_0001>

<sc_bundles>
// kernel: kernel.3.cloned.1.call-start
scs
__scs_entry_jumppad:
0x0: {  	(pc) =	sbr.rel $0x88, $3  }
0x1: {  	(tag) =	ssettag $0x0;
	lr =	simm.s32 $0x1  }
0x2: {  	[smem:$0x3F9F] =	sst lr;
	_ =	strace $0xD0000000  }
0x3: {  	_ = 	snop  }
0x4: {  	_ = 	snop  }
0x5: {  	_ = 	snop  }
0x6: {  	_ = 	snop  }
0x7: {  	_ = 	snop  }
__scs_overlays_trampoline_lowered:
0x8: {  	[smem:$0x3FAE] =	sst s0  }
0x9: {  	[smem:$0x3FAF] =	sst s1  }
0xa: {  	[smem:$0x3FB0] =	sst s2  }
0xb: {  	[smem:$0x3FB1] =	sst s3  }
0xc: {  	[smem:$0x3FB2] =	sst s4  }
0xd: {  	[smem:$0x3FB3] =	sst s5  }
0xe: {  	[smem:$0x3FB4] =	sst s6  }
0xf: {  	[smem:$0x3FB5] =	sst s7  }
0x10: {  	[smem:$0x3FB6] =	sst s8  }
0x11: {  	[smem:$0x3FB7] =	sst s9;
	s0 =	simm.s32 @!p0 $0x0  }
0x12: {  	s1 =	sld [smem:$0x3F9D];
	s0 =	simm.s32 @p0 $0x1  }
0x13: {  	[smem:$0x3FB8] =	sst s0;
	s0 =	simm.s32 @!p1 $0x0  }
0x14: {  	s2 =	sld [smem:$0x3F9C];
	s0 =	simm.s32 @p1 $0x1  }
0x15: {  	[smem:$0x3FB9] =	sst s0;
	s0 =	simm.s32 @!p2 $0x0  }
0x16: {  	s3 =	sld [smem:$0x3FDB];
	s0 =	simm.s32 @p2 $0x1  }
0x17: {  	s4 =	simm.s32 $0x1BF5;
	[smem:$0x3FBB] =	sst s0  }
0x18: {  	s0 =	sld [smem:$0x3F9E];
	_ =	swait.ge [sflag:s4], $0x0  }
0x19: {  	s7 =	sld [smem:$0x3F9F]  }
0x1a: {  	s8 =	sadd.s32 $0xFFFFE003, lr  }
0x1b: {  	s9 =	sadd.s32 $0xFFFFFEF7, lr;
	s5 =	simm.s32 $0xFFFFFFFF;
	p2 =	slt.u32 s8, $0xFFFFF086  }
0x1c: {  	p1 =	slt.u32 s9, $0xF7A;
	s5 =	simm.s32 @!p2 $0x0  }
0x1d: {  	s5 =	simm.s32 @p1 $0x1;
	p0 =	seq.s32 s7, s2  }
0x1e: {  	s7 =	smul.u32 @!p0 $0xF7A, s2;
	p2 =	seq.s32 @!p0 s5, $0x0  }
0x1f: {  	s9 =	smul.u32 $0xF7A, s1;
	s8 =	simm.s32 @!p0 $0x1BF5;
	p2 =	por !p2, p0  }
0x20: {  	[sflag:s8] =	ssyncset.s32 @!p0 $0xFFFFF086;
	s6 =	sadd.s32 @!p0 s3, s7;
	s7 =	simm.s32 @!p0 $0x108  }
0x21: {  	s3 =	sadd.s32 s3, s9;
	s6 =	sadd.s32 @!p0 $0x88, s6;
	s7 =	simm.s32 @p2 $0x1082  }
0x22: {  	[simem:s7], [sflag:s8] =	dma.local @!p0 [hbm:s6], $0xF7A  }
0x23: {  	s9 =	sor.u32 $0xD0000000, s2;
	s6 =	simm.s32 $0x108;
	_ =	swait.ge @!p0 [sflag:s8], $0x0  }
0x24: {  	s3 =	sadd.s32 $0x88, s3;
	s6 =	simm.s32 @!p1 $0x1082;
	[sflag:s4] =	ssyncset.s32 $0xFFFFF086  }
0x25: {  	[simem:s6], [sflag:s4] =	dma.local [hbm:s3], $0xF7A  }
0x26: {  	[smem:$0x3F9F] =	sst s1;
	(tag) =	ssettag s2;
	_ =	strace s9  }
0x27: {  	s1 =	sld [smem:$0x3FAF]  }
0x28: {  	s2 =	sld [smem:$0x3FB0]  }
0x29: {  	s4 =	sld [smem:$0x3FB2]  }
0x2a: {  	p0 =	seq.s32 s5, $0x0;
	s5 =	sld [smem:$0x3FB3]  }
0x2b: {  	s6 =	sld [smem:$0x3FB4]  }
0x2c: {  	s7 =	sld [smem:$0x3FB5]  }
0x2d: {  	s3 =	simm.s32 $0x108;
	s8 =	sld [smem:$0x3FB6]  }
0x2e: {  	s3 =	simm.s32 @!p0 $0x1082;
	s9 =	sld [smem:$0x3FB7]  }
0x2f: {  	lr =	sadd.s32 s0, s3;
	s0 =	sld [smem:$0x3FAE]  }
0x30: {  	s3 =	sld [smem:$0x3FB1]  }
0x31: {  	[smem:$0x3FBA] =	sst s10  }
0x32: {  	s10 =	sld [smem:$0x3FB8];
	_ =	sdelay $0x3  }
0x33: {  	p0 =	seq.s32 s10, $0x1;
	s10 =	sld [smem:$0x3FBA];
	_ =	sdelay $0x3  }
0x34: {  	[smem:$0x3FBA] =	sst s10  }
0x35: {  	s10 =	sld [smem:$0x3FB9];
	_ =	sdelay $0x3  }
0x36: {  	p1 =	seq.s32 s10, $0x1;
	s10 =	sld [smem:$0x3FBA];
	_ =	sdelay $0x3  }
0x37: {  	[smem:$0x3FBA] =	sst s10  }
0x38: {  	s10 =	sld [smem:$0x3FBB]  }
0x39: {  	_ = 	snop;
	(pc) =	sbr.ind lr, $3  }
0x3a: {  	_ = 	snop  }
0x3b: {  	_ = 	snop  }
0x3c: {  	p2 =	seq.s32 s10, $0x1;
	s10 =	sld [smem:$0x3FBA]  }
0x3d: {  	_ =	shalt  }
0x3e: {  	_ =	shalt  }
0x3f: {  	_ =	shalt  }
0x40: {  	_ =	shalt  }
0x41: {  	_ =	shalt  }
0x42: {  	_ =	shalt  }
0x43: {  	_ =	shalt  }
0x44: {  	_ =	shalt  }
0x45: {  	_ =	shalt  }
0x46: {  	_ =	shalt  }
0x47: {  	_ =	shalt  }
0x48: {  	_ =	shalt  }
0x49: {  	_ =	shalt  }
0x4a: {  	_ =	shalt  }
0x4b: {  	_ =	shalt  }
0x4c: {  	_ =	shalt  }
0x4d: {  	_ =	shalt  }
0x4e: {  	_ =	shalt  }
0x4f: {  	_ =	shalt  }
0x50: {  	_ =	shalt  }
0x51: {  	_ =	shalt  }
0x52: {  	_ =	shalt  }
0x53: {  	_ =	shalt  }
0x54: {  	_ =	shalt  }
0x55: {  	_ =	shalt  }
0x56: {  	_ =	shalt  }
0x57: {  	_ =	shalt  }
0x58: {  	_ =	shalt  }
0x59: {  	_ =	shalt  }
0x5a: {  	_ =	shalt  }
0x5b: {  	_ =	shalt  }
0x5c: {  	_ =	shalt  }
0x5d: {  	_ =	shalt  }
0x5e: {  	_ =	shalt  }
0x5f: {  	_ =	shalt  }
0x60: {  	_ =	shalt  }
0x61: {  	_ =	shalt  }
0x62: {  	_ =	shalt  }
0x63: {  	_ =	shalt  }
0x64: {  	_ =	shalt  }
0x65: {  	_ =	shalt  }
0x66: {  	_ =	shalt  }
0x67: {  	_ =	shalt  }
0x68: {  	_ =	shalt  }
0x69: {  	_ =	shalt  }
0x6a: {  	_ =	shalt  }
0x6b: {  	_ =	shalt  }
0x6c: {  	_ =	shalt  }
0x6d: {  	_ =	shalt  }
0x6e: {  	_ =	shalt  }
0x6f: {  	_ =	shalt  }
0x70: {  	_ =	shalt  }
0x71: {  	_ =	shalt  }
0x72: {  	_ =	shalt  }
0x73: {  	_ =	shalt  }
0x74: {  	_ =	shalt  }
0x75: {  	_ =	shalt  }
0x76: {  	_ =	shalt  }
0x77: {  	_ =	shalt  }
0x78: {  	_ =	shalt  }
0x79: {  	_ =	shalt  }
0x7a: {  	_ =	shalt  }
0x7b: {  	_ =	shalt  }
0x7c: {  	_ =	shalt  }
0x7d: {  	_ =	shalt  }
0x7e: {  	_ =	shalt  }
0x7f: {  	_ =	shalt  }
0x80: {  	_ =	shalt  }
0x81: {  	_ =	shalt  }
0x82: {  	_ =	shalt  }
0x83: {  	_ =	shalt  }
0x84: {  	_ =	shalt  }
0x85: {  	_ =	shalt  }
0x86: {  	_ =	shalt  }
0x87: {  	_ =	shalt  }
.Lfunc_end0:
.L_simem_size_0:
called_computation_lowered:
.L_overlay_start_0:
0x88: {  	s2 =	sld [smem:$0x3FD9]  }
0x89: {  	s3 =	sld [smem:$0x3FFE];
	_ =	sdelay $0x1  }
0x8a: {  	s1 =	srdreg.scid  }
0x8b: {  	s0 =	sand.u32 $0x1, s1  }
0x8c: {  	s17 =	sshll.u32 s0, $0xA;
	s2 =	sadd.s32 s3, s2  }
0x8d: {  	s2 =	sadd.s32 s2, s17  }
0x8e: {  	[smem:$0x3FC6] =	sst s2  }
0x8f: {  	_ = 	snop  }
0x90: {  	s2 =	sld [smem:$0x3FD0];
	(tm) =	ssettm $0x1  }
0x91: {  	s18 =	sld [smem:$0x3FFB];
	_ =	sdelay $0x3  }
0x92: {  	_ =	strace s18  }
0x93: {  	s3 =	sld [smem:$0x3FFC];
	_ =	sdelay $0x3  }
0x94: {  	_ =	strace s3  }
0x95: {  	s3 =	sld [smem:$0x3FFD];
	_ =	sdelay $0x3  }
0x96: {  	_ =	strace s3  }
0x97: {  	_ =	strace $0x8FFFFFFF  }
0x98: {  	s19 =	sld [smem:$0x3FDB];
	_ =	sdelay $0x1  }
0x99: {  	s4 =	simm.s32 $_scs_section_size  }
0x9a: {  	s5 =	simm.s32 $_size__tile_overlayer_lowered;
	s6 =	simm.s32 $_tile_overlayer_lowered  }
0x9b: {  	s22 =	simm.s32 $0x1BFF;
	s21 =	sshll.u32 s6, $0x1;
	s3 =	sadd.s32 s4, s19  }
0x9c: {  	s7 =	simm.s32 $0x0;
	s20 =	sshll.u32 s5, $0x1;
	s5 =	sadd.s32 s21, s3  }
0x9d: {  	[timem:s7], [sflag:s22] =	dma.local [hbm:s5], s20  }
0x9e: {  	_ =	swait.ge [sflag:s22], s20  }
0x9f: {  	s4 =	ssub.s32 $0x0, s20;
	[sflag:s22] =	ssyncset.done $0x0  }
0xa0: {  	[sflag:s22] =	ssyncadd.s32 s4;
	_ =	sdelay $0x1  }
0xa1: {  	s23 =	simm.s32 $0x1B8B  }
0xa2: {  	_ =	swait.ge [sflag:s23], $0x1  }
0xa3: {  	[sflag:s23] =	ssyncset.done $0x0  }
0xa4: {  	s25 =	simm.s32 $0x1B8E;
	s24 =	sld [smem:$0x3FFE];
	[sflag:s23] =	ssyncadd.s32 $0xFFFFFFFF  }
0xa5: {  	s26 =	simm.s32 $execute0_lowered;
	[smem:$0x3FD2] =	sst s25  }
0xa6: {  	s5 =	sshll.u32 s26, $0x1;
	_ =	strace $0x80000046;
	[dreg:$0x1] =	wrdreg $0xFFFFFFFF  }
0xa7: {  	s28 =	simm.s32 $_size_execute0_lowered;
	s3 =	sadd.s32 s3, s5;
	[dreg:$0x0] =	wrdreg $0x0  }
0xa8: {  	s5 =	sshll.u32 s28, $0x1;
	[dreg:$0x2] =	wrdreg s3  }
0xa9: {  	[dreg:$0x3] =	wrdreg s5  }
0xaa: {  	[dreg:$0x4] =	wrdreg $0xC0  }
0xab: {  	_ =	task [dreg:s7], $0x5FFFF  }
0xac: {  	[dreg:$0x1] =	wrdreg $0xFFFFFFFF  }
0xad: {  	[dreg:$0x0] =	wrdreg $0x60  }
0xae: {  	[dreg:$0x2] =	wrdreg s24  }
0xaf: {  	[dreg:$0x3] =	wrdreg s2  }
0xb0: {  	[dreg:$0x4] =	wrdreg $0x9  }
0xb1: {  	_ =	task.clear_ibuf [dreg:s7], $0x5FFFF;
	_ =	strace $0x90000046  }
0xb2: {  	s29 =	simm.s32 $0x9;
	_ =	strace $0x80000048  }
0xb3: {  	_ =	swait.ge [sflag:s29], $0x1  }
0xb4: {  	[sflag:s29] =	ssyncadd.s32 $0xFFFFFFFF  }
0xb5: {  	_ =	strace $0x90000048  }
0xb6: {  	_ =	sfence  }
0xb7: {  	s30 =	sld [smem:$0x0];
	_ =	sdelay $0x2  }
0xb8: {  	s31 =	sshll.u32 s1, $0xD;
	s1 =	sshrl.u32 s1, $0x2  }
0xb9: {  	s3 =	sand.u32 $0x4000, s31;
	s1 =	sadd.s32 s1, s30  }
0xba: {  	s0 =	sor.u32 s3, s0;
	s1 =	sshll.u32 s1, $0x11  }
0xbb: {  	s0 =	sor.u32 s1, s0  }
0xbc: {  	s0 =	sadd.s32 $0x8F2B, s0  }
0xbd: {  	[sflag:s0] =	ssyncadd.remote.s32 $0x1  }
0xbe: {  	_ =	sfence.sel $0xFFFF  }
0xbf: {  	[dreg:$0x0] =	wrdreg $0xFFFFFFFF;
	(pc) =	sbr.abs _section_cstart, $3  }
0xc0: {  	[dreg:$0x1] =	wrdreg $0xFFFFFFFF  }
0xc1: {  	_ =	task.clear_ibuf [dreg:s7], $0x2FFFF;
	_ =	strace $0x9FFFFFFF  }
0xc2: {  	(tm) =	ssettm $0x7FFFFFFF  }
0xc3: {  	_ =	shalt  }
tec
execute0_lowered:
.L_overlay_start_1:
0x0: {  	(tag) =	ssettag $0x1  }
0x1: {  	s0 =	rddreg [dreg:$0x0]  }
0x2: {  	s2 =	simm.s32 $0x0;
	s1 =	srdreg.scid;
	s3 =	stileid.u32  }
0x3: {  	s10 =	simm.s32 $0x80;
	s28 =	simm.s32 $0x5;
	s29 =	simm.s32 $0x6  }
0x4: {  	s30 =	simm.s32 $0x7;
	s31 =	simm.s32 $0x8;
	[smem:$0x7FF] =	sst s2  }
0x5: {  	s1 =	sand.u32 $0x1, s1;
	s12 =	smul.u32 $0x68000, s3;
	s3 =	sshll.u32 s3, $0x7  }
0x6: {  	s4 =	sshll.u32 s1, $0x6;
	s5 =	smul.u32 $0x34000, s1;
	_ =	strace $0x80000047  }
0x7: {  	s1 =	ssub.s32 $0x2, s1;
	s3 =	sor.u32 s4, s3;
	s4 =	sadd.s32 $0x27ACC00, s0  }
0x8: {  	s13 =	sshrl.u32 s1, $0x1;
	s3 =	sadd.s32 s3, s0;
	s2 =	sadd.s32 s5, s12  }
0x9: {  	s0 =	ssub.s32 s1, s13;
	s1 =	simm.s32 $0x0;
	s12 =	simm.s32 $0x3400  }
0xa: {  	s5 =	sadd.s32 $0x27000, s2;
	s15 =	sadd.s32 $0x1A000, s2;
	s3 =	sadd.s32 $0x800, s3  }
0xb: {  	s17 =	sadd.s32 $0xD000, s2;
	s19 =	sshrl.u32 s2, $0x3;
	[dreg:$0xb] =	wrdreg s3  }
0xc: {  	s20 =	sadd.s32 $0x27010, s2;
	s0 =	smax.u32 s0, $0x1;
	[dreg:$0x6] =	wrdreg s19  }
0xd: {  	s22 =	sadd.s32 $0x1A010, s2;
	s14 =	sshrl.u32 s5, $0x3;
	[dreg:$0xc] =	wrdreg s0  }
0xe: {  	s24 =	sadd.s32 $0xD010, s2;
	s16 =	sshrl.u32 s15, $0x3;
	[dreg:$0x3] =	wrdreg s14  }
0xf: {  	s2 =	sor.u32 $0x10, s2;
	s18 =	sshrl.u32 s17, $0x3;
	[dreg:$0x4] =	wrdreg s16  }
0x10: {  	s21 =	sshrl.u32 s20, $0x3;
	s23 =	sshrl.u32 s22, $0x3;
	[dreg:$0x5] =	wrdreg s18  }
0x11: {  	s25 =	sshrl.u32 s24, $0x3;
	s26 =	sshrl.u32 s2, $0x3;
	[dreg:$0x7] =	wrdreg s21  }
0x12: {  	s17 =	simm.s32 $0x5400;
	s19 =	simm.s32 $0x10;
	[dreg:$0x8] =	wrdreg s23  }
0x13: {  	s20 =	simm.s32 $0x1A0;
	s22 =	simm.s32 $0x2;
	[dreg:$0x9] =	wrdreg s25  }
0x14: {  	s24 =	simm.s32 $0x3;
	[dreg:$0xa] =	wrdreg s26;
	s18 =	simm.s32 $0x1  }
0x15: {  	s21 =	simm.s32 $0x5C00;
	s23 =	simm.s32 $0x6400;
	s25 =	simm.s32 $0x6C00  }
0x16: {  	s26 =	simm.s32 $0x4;
	s14 =	simm.s32 $0x3C00;
	s16 =	simm.s32 $0x4400  }
.LBB2_1:
0x17: {  	[dreg:$0xd] =	wrdreg s1  }
0x18: {  	s0 =	simm.s32 $0x0;
	s11 =	rddreg [dreg:$0xb]  }
0x19: {  	s2 =	simm.s32 $0x200;
	s3 =	simm.s32 $0x4000;
	s13 =	simm.s32 $0x11  }
0x1a: {  	[tilespmem:s0], [sflag:$0x11] =	stream.strided.gather [hbm4b:s11+s2], $0x3400, s3, s2, $0x38;
	[tilespmem:$0x7400] =	vst v63  }
0x1b: {  	_ =	swait.ge [sflag:s13], $0x3400  }
0x1c: {  	[sflag:s13] =	ssyncset.done $0x0  }
0x1d: {  	s15 =	simm.s32 $0x3400;
	[sflag:s13] =	ssyncadd.s32 $0xFFFFCC00  }
0x1e: {  	[tilespmem:s15], [sflag:$0x1] =	stream.indirect.gather [hbm4b:s4+s10], $0x10, s0, s10, $0xb8;
	[tilespmem:$0x7400] =	vst v63  }
0x1f: {  	s5 =	simm.s32 $0x3C00;
	p0 =	por $0x1, $0x1  }
0x20: {  	[tilespmem:s5], [sflag:$0x2] =	stream.indirect.gather [hbm4b:s4+s10], $0x10, s10, s10, $0xb8;
	[tilespmem:$0x7400] =	vst v63  }
0x21: {  	s8 =	simm.s32 $0x100;
	s6 =	simm.s32 $0x4400;
	p0 =	por p0, p0  }
0x22: {  	[tilespmem:s6], [sflag:$0x3] =	stream.indirect.gather [hbm4b:s4+s10], $0x10, s8, s10, $0xb8;
	[tilespmem:$0x7400] =	vst v63  }
0x23: {  	s9 =	simm.s32 $0x180;
	s7 =	simm.s32 $0x4C00;
	s0 =	simm.s32 @!p0 $0xD  }
0x24: {  	[tilespmem:s7], [sflag:$0x4] =	stream.indirect.gather [hbm4b:s4+s10], $0x10, s9, s10, $0xb8;
	[tilespmem:$0x7400] =	vst v63  }
0x25: {  	_ =	swait.ge @!p0 [sflag:s0], $0x800  }
0x26: {  	[sflag:s0] =	ssyncset.done @!p0 $0x0  }
0x27: {  	s11 =	simm.s32 $0x200;
	[sflag:s0] =	ssyncadd.s32 @!p0 $0xFFFFF800  }
0x28: {  	[tilespmem:s17], [sflag:$0x5] =	stream.indirect.gather [hbm4b:s4+s10], $0x10, s11, s10, $0xb8;
	[tilespmem:$0x7400] =	vst v63  }
0x29: {  	_ =	swait.ge [sflag:s18], $0x800  }
0x2a: {  	[sflag:s18] =	ssyncset.done $0x0  }
0x2b: {  	s13 =	rddreg [dreg:$0x6];
	[sflag:s18] =	ssyncadd.s32 $0xFFFFF800  }
0x2c: {  	s3 =	rddreg [dreg:$0x1]  }
0x2d: {  	s1 =	simm.s32 @!p0 $0xE;
	s0 =	sadd.s32 s3, s13  }
0x2e: {  	[hbm4b:s0+s19] =	stream.strided.scatter [tilespmem:s15], [sflag:$0x9], $0x800, s20, s19, $0x38;
	[tilespmem:$0x7400] =	vst v63  }
0x2f: {  	_ =	swait.ge @!p0 [sflag:s1], $0x800  }
0x30: {  	[sflag:s1] =	ssyncset.done @!p0 $0x0  }
0x31: {  	s15 =	simm.s32 $0x280;
	[sflag:s1] =	ssyncadd.s32 @!p0 $0xFFFFF800  }
0x32: {  	[tilespmem:s21], [sflag:$0x6] =	stream.indirect.gather [hbm4b:s4+s10], $0x10, s15, s10, $0xb8;
	[tilespmem:$0x7400] =	vst v63  }
0x33: {  	_ =	swait.ge [sflag:s22], $0x800  }
0x34: {  	s1 =	rddreg [dreg:$0x5];
	[sflag:s22] =	ssyncset.done $0x0  }
0x35: {  	[sflag:s22] =	ssyncadd.s32 $0xFFFFF800;
	s0 =	sadd.s32 s3, s1;
	s1 =	simm.s32 @!p0 $0xF  }
0x36: {  	[hbm4b:s0+s19] =	stream.strided.scatter [tilespmem:s5], [sflag:$0xA], $0x800, s20, s19, $0x38;
	[tilespmem:$0x7400] =	vst v63  }
0x37: {  	_ =	swait.ge @!p0 [sflag:s1], $0x800  }
0x38: {  	[sflag:s1] =	ssyncset.done @!p0 $0x0  }
0x39: {  	s2 =	simm.s32 $0x300;
	[sflag:s1] =	ssyncadd.s32 @!p0 $0xFFFFF800  }
0x3a: {  	[tilespmem:s23], [sflag:$0x7] =	stream.indirect.gather [hbm4b:s4+s10], $0x10, s2, s10, $0xb8;
	[tilespmem:$0x7400] =	vst v63  }
0x3b: {  	_ =	swait.ge [sflag:s24], $0x800  }
0x3c: {  	s5 =	rddreg [dreg:$0x4];
	[sflag:s24] =	ssyncset.done $0x0  }
0x3d: {  	p0 =	por $0x1, $0x1;
	[sflag:s24] =	ssyncadd.s32 $0xFFFFF800;
	s0 =	sadd.s32 s3, s5  }
0x3e: {  	[hbm4b:s0+s19] =	stream.strided.scatter [tilespmem:s6], [sflag:$0xB], $0x800, s20, s19, $0x38;
	[tilespmem:$0x7400] =	vst v63  }
0x3f: {  	s0 =	simm.s32 @!p0 $0x10  }
0x40: {  	_ =	swait.ge @!p0 [sflag:s0], $0x800  }
0x41: {  	[sflag:s0] =	ssyncset.done @!p0 $0x0  }
0x42: {  	s8 =	simm.s32 $0x380;
	[sflag:s0] =	ssyncadd.s32 @!p0 $0xFFFFF800  }
0x43: {  	[tilespmem:s25], [sflag:$0x8] =	stream.indirect.gather [hbm4b:s4+s10], $0x10, s8, s10, $0xb8;
	[tilespmem:$0x7400] =	vst v63  }
0x44: {  	_ =	swait.ge [sflag:s26], $0x800  }
0x45: {  	p0 =	por $0x0, $0x0;
	s9 =	rddreg [dreg:$0x3];
	[sflag:s26] =	ssyncset.done $0x0  }
0x46: {  	s1 =	simm.s32 @!p0 $0x9;
	[sflag:s26] =	ssyncadd.s32 $0xFFFFF800;
	s0 =	sadd.s32 s3, s9  }
0x47: {  	[hbm4b:s0+s19] =	stream.strided.scatter [tilespmem:s7], [sflag:$0xC], $0x800, s20, s19, $0x38;
	[tilespmem:$0x7400] =	vst v63  }
0x48: {  	_ =	swait.ge @!p0 [sflag:s1], $0x800  }
0x49: {  	s2 =	simm.s32 @!p0 $0x80;
	[sflag:s1] =	ssyncset.done @!p0 $0x0  }
0x4a: {  	s6 =	simm.s32 @!p0 $0x3400;
	s0 =	simm.s32 @!p0 $0x400;
	[sflag:s1] =	ssyncadd.s32 @!p0 $0xFFFFF800  }
0x4b: {  	[tilespmem:s6], [sflag:$0x1] =	stream.indirect.gather @!p0 [hbm4b:s4+s2], $0x10, s0, s2, $0xb8;
	[tilespmem:$0x7400] =	vst v63  }
0x4c: {  	_ =	swait.ge [sflag:s28], $0x800  }
0x4d: {  	s11 =	rddreg [dreg:$0xa];
	[sflag:s28] =	ssyncset.done $0x0  }
0x4e: {  	s1 =	simm.s32 @!p0 $0xA;
	[sflag:s28] =	ssyncadd.s32 $0xFFFFF800;
	s0 =	sadd.s32 s3, s11  }
0x4f: {  	[hbm4b:s0+s19] =	stream.strided.scatter [tilespmem:s17], [sflag:$0xD], $0x800, s20, s19, $0x38;
	[tilespmem:$0x7400] =	vst v63  }
0x50: {  	_ =	swait.ge @!p0 [sflag:s1], $0x800  }
0x51: {  	[sflag:s1] =	ssyncset.done @!p0 $0x0  }
0x52: {  	s6 =	simm.s32 @!p0 $0x3C00;
	s0 =	simm.s32 @!p0 $0x480;
	[sflag:s1] =	ssyncadd.s32 @!p0 $0xFFFFF800  }
0x53: {  	[tilespmem:s6], [sflag:$0x2] =	stream.indirect.gather @!p0 [hbm4b:s4+s2], $0x10, s0, s2, $0xb8;
	[tilespmem:$0x7400] =	vst v63  }
0x54: {  	_ =	swait.ge [sflag:s29], $0x800  }
0x55: {  	s13 =	rddreg [dreg:$0x9];
	[sflag:s29] =	ssyncset.done $0x0  }
0x56: {  	s1 =	simm.s32 @!p0 $0xB;
	[sflag:s29] =	ssyncadd.s32 $0xFFFFF800;
	s0 =	sadd.s32 s3, s13  }
0x57: {  	[hbm4b:s0+s19] =	stream.strided.scatter [tilespmem:s21], [sflag:$0xE], $0x800, s20, s19, $0x38;
	[tilespmem:$0x7400] =	vst v63  }
0x58: {  	_ =	swait.ge @!p0 [sflag:s1], $0x800  }
0x59: {  	[sflag:s1] =	ssyncset.done @!p0 $0x0  }
0x5a: {  	s6 =	simm.s32 @!p0 $0x4400;
	s0 =	simm.s32 @!p0 $0x500;
	[sflag:s1] =	ssyncadd.s32 @!p0 $0xFFFFF800  }
0x5b: {  	[tilespmem:s6], [sflag:$0x3] =	stream.indirect.gather @!p0 [hbm4b:s4+s2], $0x10, s0, s2, $0xb8;
	[tilespmem:$0x7400] =	vst v63  }
0x5c: {  	_ =	swait.ge [sflag:s30], $0x800  }
0x5d: {  	s15 =	rddreg [dreg:$0x8];
	[sflag:s30] =	ssyncset.done $0x0  }
0x5e: {  	s1 =	simm.s32 @!p0 $0xC;
	[sflag:s30] =	ssyncadd.s32 $0xFFFFF800;
	s0 =	sadd.s32 s3, s15  }
0x5f: {  	[hbm4b:s0+s19] =	stream.strided.scatter [tilespmem:s23], [sflag:$0xF], $0x800, s20, s19, $0x38;
	[tilespmem:$0x7400] =	vst v63  }
0x60: {  	_ =	swait.ge @!p0 [sflag:s1], $0x800  }
0x61: {  	p6 =	por $0x0, $0x0;
	s9 =	simm.s32 $0x1000;
	[sflag:s1] =	ssyncset.done @!p0 $0x0  }
0x62: {  	s6 =	simm.s32 @!p0 $0x4C00;
	s0 =	simm.s32 @!p0 $0x580;
	[sflag:s1] =	ssyncadd.s32 @!p0 $0xFFFFF800  }
0x63: {  	[tilespmem:s6], [sflag:$0x4] =	stream.indirect.gather @!p0 [hbm4b:s4+s2], $0x10, s0, s2, $0xb8;
	[tilespmem:$0x7400] =	vst v63  }
0x64: {  	s1 =	simm.s32 $0x2000;
	s0 =	simm.s32 $0x0;
	_ =	swait.ge [sflag:s31], $0x800  }
0x65: {  	p0 =	por p6, p6;
	s6 =	sadd.s32 $0x4, s3;
	[sflag:s31] =	ssyncset.done $0x0  }
0x66: {  	s2 =	smov.u32 s3;
	s8 =	rddreg [dreg:$0x7];
	[sflag:s31] =	ssyncadd.s32 $0xFFFFF800  }
.LBB2_2:
0x67: {  	s15 =	simm.s32 @!p0 $0xD;
	s13 =	sadd.s32 s2, s8  }
0x68: {  	[hbm4b:s13+s19] =	stream.strided.scatter [tilespmem:s25], [sflag:$0x10], $0x800, s20, s19, $0x38;
	[tilespmem:$0x7400] =	vst v63  }
0x69: {  	_ =	swait.ge @!p0 [sflag:s15], $0x800  }
0x6a: {  	s13 =	sshra.s32 s9, $0x2;
	[sflag:s15] =	ssyncset.done @!p0 $0x0  }
0x6b: {  	s7 =	sadd.s32 $0x200, s13;
	[sflag:s15] =	ssyncadd.s32 @!p0 $0xFFFFF800  }
0x6c: {  	[tilespmem:s17], [sflag:$0x5] =	stream.indirect.gather [hbm4b:s4+s10], $0x10, s7, s10, $0xb8;
	[tilespmem:$0x7400] =	vst v63  }
0x6d: {  	_ =	swait.ge [sflag:s18], $0x800  }
0x6e: {  	s11 =	rddreg [dreg:$0x6];
	[sflag:s18] =	ssyncset.done $0x0  }
0x6f: {  	s3 =	simm.s32 @!p0 $0xE;
	[sflag:s18] =	ssyncadd.s32 $0xFFFFF800;
	s15 =	sadd.s32 s6, s11  }
0x70: {  	[hbm4b:s15+s19] =	stream.strided.scatter [tilespmem:s12], [sflag:$0x9], $0x800, s20, s19, $0x38;
	[tilespmem:$0x7400] =	vst v63  }
0x71: {  	_ =	swait.ge @!p0 [sflag:s3], $0x800  }
0x72: {  	[sflag:s3] =	ssyncset.done @!p0 $0x0  }
0x73: {  	s15 =	sadd.s32 $0x280, s13;
	[sflag:s3] =	ssyncadd.s32 @!p0 $0xFFFFF800  }
0x74: {  	[tilespmem:s21], [sflag:$0x6] =	stream.indirect.gather [hbm4b:s4+s10], $0x10, s15, s10, $0xb8;
	[tilespmem:$0x7400] =	vst v63  }
0x75: {  	_ =	swait.ge [sflag:s22], $0x800  }
0x76: {  	s5 =	rddreg [dreg:$0x5];
	[sflag:s22] =	ssyncset.done $0x0  }
0x77: {  	s15 =	simm.s32 @!p0 $0xF;
	[sflag:s22] =	ssyncadd.s32 $0xFFFFF800;
	s3 =	sadd.s32 s6, s5  }
0x78: {  	[hbm4b:s3+s19] =	stream.strided.scatter [tilespmem:s14], [sflag:$0xA], $0x800, s20, s19, $0x38;
	[tilespmem:$0x7400] =	vst v63  }
0x79: {  	_ =	swait.ge @!p0 [sflag:s15], $0x800  }
0x7a: {  	[sflag:s15] =	ssyncset.done @!p0 $0x0  }
0x7b: {  	s0 =	sadd.s32 $0x8, s0;
	s7 =	sadd.s32 $0x300, s13;
	[sflag:s15] =	ssyncadd.s32 @!p0 $0xFFFFF800  }
0x7c: {  	[tilespmem:s23], [sflag:$0x7] =	stream.indirect.gather [hbm4b:s4+s10], $0x10, s7, s10, $0xb8;
	[tilespmem:$0x7400] =	vst v63  }
0x7d: {  	p2 =	sgt.u32 s0, $0x5F;
	_ =	swait.ge [sflag:s24], $0x800  }
0x7e: {  	p0 =	por p2, p2;
	s11 =	rddreg [dreg:$0x4];
	[sflag:s24] =	ssyncset.done $0x0  }
0x7f: {  	p2 =	seq.s32 s9, $0x0;
	[sflag:s24] =	ssyncadd.s32 $0xFFFFF800;
	s3 =	sadd.s32 s6, s11  }
0x80: {  	[hbm4b:s3+s19] =	stream.strided.scatter [tilespmem:s16], [sflag:$0xB], $0x800, s20, s19, $0x38;
	[tilespmem:$0x7400] =	vst v63  }
0x81: {  	s3 =	simm.s32 @!p2 $0x10  }
0x82: {  	_ =	swait.ge @!p2 [sflag:s3], $0x800  }
0x83: {  	[sflag:s3] =	ssyncset.done @!p2 $0x0  }
0x84: {  	s13 =	sadd.s32 $0x380, s13;
	[sflag:s3] =	ssyncadd.s32 @!p2 $0xFFFFF800  }
0x85: {  	[tilespmem:s25], [sflag:$0x8] =	stream.indirect.gather [hbm4b:s4+s10], $0x10, s13, s10, $0xb8;
	[tilespmem:$0x7400] =	vst v63  }
0x86: {  	s5 =	simm.s32 $0x4C00;
	_ =	swait.ge [sflag:s26], $0x800  }
0x87: {  	p2 =	seq.s32 s9, $0xC000;
	s15 =	rddreg [dreg:$0x3];
	[sflag:s26] =	ssyncset.done $0x0  }
0x88: {  	[sflag:s26] =	ssyncadd.s32 $0xFFFFF800;
	s3 =	sadd.s32 s6, s15;
	s15 =	simm.s32 @!p2 $0x9  }
0x89: {  	[hbm4b:s3+s19] =	stream.strided.scatter [tilespmem:s5], [sflag:$0xC], $0x800, s20, s19, $0x38;
	[tilespmem:$0x7400] =	vst v63  }
0x8a: {  	_ =	swait.ge @!p2 [sflag:s15], $0x800  }
0x8b: {  	s9 =	sshra.s32 @!p2 s9, $0x2;
	s13 =	simm.s32 @!p2 $0x80;
	[sflag:s15] =	ssyncset.done @!p2 $0x0  }
0x8c: {  	s3 =	sadd.s32 @!p2 $0x400, s9;
	s5 =	simm.s32 @!p2 $0x3400;
	[sflag:s15] =	ssyncadd.s32 @!p2 $0xFFFFF800  }
0x8d: {  	[tilespmem:s5], [sflag:$0x1] =	stream.indirect.gather @!p2 [hbm4b:s4+s13], $0x10, s3, s13, $0xb8;
	[tilespmem:$0x7400] =	vst v63  }
0x8e: {  	_ =	swait.ge [sflag:s28], $0x800  }
0x8f: {  	s5 =	rddreg [dreg:$0xa];
	[sflag:s28] =	ssyncset.done $0x0  }
0x90: {  	[sflag:s28] =	ssyncadd.s32 $0xFFFFF800;
	s3 =	sadd.s32 s6, s5;
	s5 =	simm.s32 @!p2 $0xA  }
0x91: {  	[hbm4b:s3+s19] =	stream.strided.scatter [tilespmem:s17], [sflag:$0xD], $0x800, s20, s19, $0x38;
	[tilespmem:$0x7400] =	vst v63  }
0x92: {  	_ =	swait.ge @!p2 [sflag:s5], $0x800  }
0x93: {  	s8 =	smov.u32 s1;
	[sflag:s5] =	ssyncset.done @!p2 $0x0  }
0x94: {  	s7 =	sadd.s32 @!p2 $0x480, s9;
	s3 =	simm.s32 @!p2 $0x3C00;
	[sflag:s5] =	ssyncadd.s32 @!p2 $0xFFFFF800  }
0x95: {  	[tilespmem:s3], [sflag:$0x2] =	stream.indirect.gather @!p2 [hbm4b:s4+s13], $0x10, s7, s13, $0xb8;
	[tilespmem:$0x7400] =	vst v63  }
0x96: {  	s11 =	sadd.s32 @!p2 $0x500, s9;
	s15 =	sadd.s32 @!p2 $0x580, s9;
	_ =	swait.ge [sflag:s29], $0x800  }
0x97: {  	s9 =	smov.u32 s8;
	s8 =	rddreg [dreg:$0x9];
	[sflag:s29] =	ssyncset.done $0x0  }
0x98: {  	s5 =	simm.s32 @!p2 $0xB;
	[sflag:s29] =	ssyncadd.s32 $0xFFFFF800;
	s3 =	sadd.s32 s6, s8  }
0x99: {  	[hbm4b:s3+s19] =	stream.strided.scatter [tilespmem:s21], [sflag:$0xE], $0x800, s20, s19, $0x38;
	[tilespmem:$0x7400] =	vst v63  }
0x9a: {  	_ =	swait.ge @!p2 [sflag:s5], $0x800  }
0x9b: {  	[sflag:s5] =	ssyncset.done @!p2 $0x0  }
0x9c: {  	s3 =	simm.s32 @!p2 $0x4400;
	[sflag:s5] =	ssyncadd.s32 @!p2 $0xFFFFF800  }
0x9d: {  	[tilespmem:s3], [sflag:$0x3] =	stream.indirect.gather @!p2 [hbm4b:s4+s13], $0x10, s11, s13, $0xb8;
	[tilespmem:$0x7400] =	vst v63  }
0x9e: {  	_ =	swait.ge [sflag:s30], $0x800  }
0x9f: {  	s11 =	rddreg [dreg:$0x8];
	[sflag:s30] =	ssyncset.done $0x0  }
0xa0: {  	s5 =	simm.s32 @!p2 $0xC;
	[sflag:s30] =	ssyncadd.s32 $0xFFFFF800;
	s3 =	sadd.s32 s6, s11  }
0xa1: {  	[hbm4b:s3+s19] =	stream.strided.scatter [tilespmem:s23], [sflag:$0xF], $0x800, s20, s19, $0x38;
	[tilespmem:$0x7400] =	vst v63  }
0xa2: {  	s1 =	sadd.s32 $0x1000, s1;
	_ =	swait.ge @!p2 [sflag:s5], $0x800  }
0xa3: {  	p1 =	sne.s32 s1, $0xD000;
	[sflag:s5] =	ssyncset.done @!p2 $0x0  }
.Ltmp0:
0xa4: {  	s3 =	simm.s32 @!p2 $0x4C00;
	[sflag:s5] =	ssyncadd.s32 @!p2 $0xFFFFF800;
	(pc) =	sbr.rel @p1 .LBB2_2-.Ltmp0, $4  }
0xa5: {  	[tilespmem:s3], [sflag:$0x4] =	stream.indirect.gather @!p2 [hbm4b:s4+s13], $0x10, s15, s13, $0xb8;
	[tilespmem:$0x7400] =	vst v63  }
0xa6: {  	_ =	swait.ge [sflag:s31], $0x800  }
0xa7: {  	s2 =	smov.u32 s6;
	[sflag:s31] =	ssyncset.done $0x0  }
0xa8: {  	s6 =	sadd.s32 $0x4, s6;
	s8 =	rddreg [dreg:$0x7];
	[sflag:s31] =	ssyncadd.s32 $0xFFFFF800  }
0xa9: {  	s0 =	simm.s32 @!p0 $0xD;
	s1 =	sadd.s32 s2, s8  }
0xaa: {  	[hbm4b:s1+s19] =	stream.strided.scatter [tilespmem:s25], [sflag:$0x10], $0x800, s20, s19, $0x38;
	[tilespmem:$0x7400] =	vst v63  }
0xab: {  	_ =	swait.ge @!p0 [sflag:s0], $0x800  }
0xac: {  	s8 =	sshra.s32 s9, $0x2;
	[sflag:s0] =	ssyncset.done @!p0 $0x0  }
0xad: {  	s11 =	sadd.s32 $0x200, s8;
	[sflag:s0] =	ssyncadd.s32 @!p0 $0xFFFFF800  }
0xae: {  	[tilespmem:s17], [sflag:$0x5] =	stream.indirect.gather [hbm4b:s4+s10], $0x10, s11, s10, $0xb8;
	[tilespmem:$0x7400] =	vst v63  }
0xaf: {  	_ =	swait.ge [sflag:s18], $0x800  }
0xb0: {  	s13 =	rddreg [dreg:$0x6];
	[sflag:s18] =	ssyncset.done $0x0  }
0xb1: {  	s2 =	simm.s32 @!p0 $0xE;
	[sflag:s18] =	ssyncadd.s32 $0xFFFFF800;
	s0 =	sadd.s32 s6, s13  }
0xb2: {  	[hbm4b:s0+s19] =	stream.strided.scatter [tilespmem:s12], [sflag:$0x9], $0x800, s20, s19, $0x38;
	[tilespmem:$0x7400] =	vst v63  }
0xb3: {  	_ =	swait.ge @!p0 [sflag:s2], $0x800  }
0xb4: {  	[sflag:s2] =	ssyncset.done @!p0 $0x0  }
0xb5: {  	s15 =	sadd.s32 $0x280, s8;
	[sflag:s2] =	ssyncadd.s32 @!p0 $0xFFFFF800  }
0xb6: {  	[tilespmem:s21], [sflag:$0x6] =	stream.indirect.gather [hbm4b:s4+s10], $0x10, s15, s10, $0xb8;
	[tilespmem:$0x7400] =	vst v63  }
0xb7: {  	_ =	swait.ge [sflag:s22], $0x800  }
0xb8: {  	s2 =	rddreg [dreg:$0x5];
	[sflag:s22] =	ssyncset.done $0x0  }
0xb9: {  	[sflag:s22] =	ssyncadd.s32 $0xFFFFF800;
	s0 =	sadd.s32 s6, s2;
	s2 =	simm.s32 @!p0 $0xF  }
0xba: {  	[hbm4b:s0+s19] =	stream.strided.scatter [tilespmem:s14], [sflag:$0xA], $0x800, s20, s19, $0x38;
	[tilespmem:$0x7400] =	vst v63  }
0xbb: {  	_ =	swait.ge @!p0 [sflag:s2], $0x800  }
0xbc: {  	[sflag:s2] =	ssyncset.done @!p0 $0x0  }
0xbd: {  	s3 =	sadd.s32 $0x300, s8;
	[sflag:s2] =	ssyncadd.s32 @!p0 $0xFFFFF800  }
0xbe: {  	[tilespmem:s23], [sflag:$0x7] =	stream.indirect.gather [hbm4b:s4+s10], $0x10, s3, s10, $0xb8;
	[tilespmem:$0x7400] =	vst v63  }
0xbf: {  	_ =	swait.ge [sflag:s24], $0x800  }
0xc0: {  	s5 =	rddreg [dreg:$0x4];
	[sflag:s24] =	ssyncset.done $0x0  }
0xc1: {  	p0 =	seq.s32 s9, $0x0;
	[sflag:s24] =	ssyncadd.s32 $0xFFFFF800;
	s0 =	sadd.s32 s6, s5  }
0xc2: {  	[hbm4b:s0+s19] =	stream.strided.scatter [tilespmem:s16], [sflag:$0xB], $0x800, s20, s19, $0x38;
	[tilespmem:$0x7400] =	vst v63  }
0xc3: {  	s0 =	simm.s32 @!p0 $0x10  }
0xc4: {  	_ =	swait.ge @!p0 [sflag:s0], $0x800  }
0xc5: {  	[sflag:s0] =	ssyncset.done @!p0 $0x0  }
0xc6: {  	s1 =	sadd.s32 $0x380, s8;
	[sflag:s0] =	ssyncadd.s32 @!p0 $0xFFFFF800  }
0xc7: {  	[tilespmem:s25], [sflag:$0x8] =	stream.indirect.gather [hbm4b:s4+s10], $0x10, s1, s10, $0xb8;
	[tilespmem:$0x7400] =	vst v63  }
0xc8: {  	s8 =	simm.s32 $0x4C00;
	_ =	swait.ge [sflag:s26], $0x800  }
0xc9: {  	p0 =	seq.s32 s9, $0xC000;
	s7 =	rddreg [dreg:$0x3];
	[sflag:s26] =	ssyncset.done $0x0  }
0xca: {  	s1 =	simm.s32 @!p0 $0x9;
	[sflag:s26] =	ssyncadd.s32 $0xFFFFF800;
	s0 =	sadd.s32 s6, s7  }
0xcb: {  	[hbm4b:s0+s19] =	stream.strided.scatter [tilespmem:s8], [sflag:$0xC], $0x800, s20, s19, $0x38;
	[tilespmem:$0x7400] =	vst v63  }
0xcc: {  	_ =	swait.ge @!p0 [sflag:s1], $0x800  }
0xcd: {  	s3 =	simm.s32 @!p0 $0x80;
	s0 =	sshra.s32 @!p0 s9, $0x2;
	[sflag:s1] =	ssyncset.done @!p0 $0x0  }
0xce: {  	s2 =	sadd.s32 @!p0 $0x400, s0;
	[sflag:s1] =	ssyncadd.s32 @!p0 $0xFFFFF800;
	s1 =	simm.s32 @!p0 $0x3400  }
0xcf: {  	[tilespmem:s1], [sflag:$0x1] =	stream.indirect.gather @!p0 [hbm4b:s4+s3], $0x10, s2, s3, $0xb8;
	[tilespmem:$0x7400] =	vst v63  }
0xd0: {  	_ =	swait.ge [sflag:s28], $0x800  }
0xd1: {  	s11 =	rddreg [dreg:$0xa];
	[sflag:s28] =	ssyncset.done $0x0  }
0xd2: {  	s2 =	simm.s32 @!p0 $0xA;
	[sflag:s28] =	ssyncadd.s32 $0xFFFFF800;
	s1 =	sadd.s32 s6, s11  }
0xd3: {  	[hbm4b:s1+s19] =	stream.strided.scatter [tilespmem:s17], [sflag:$0xD], $0x800, s20, s19, $0x38;
	[tilespmem:$0x7400] =	vst v63  }
0xd4: {  	_ =	swait.ge @!p0 [sflag:s2], $0x800  }
0xd5: {  	[sflag:s2] =	ssyncset.done @!p0 $0x0  }
0xd6: {  	s1 =	sadd.s32 @!p0 $0x480, s0;
	[sflag:s2] =	ssyncadd.s32 @!p0 $0xFFFFF800;
	s2 =	simm.s32 @!p0 $0x3C00  }
0xd7: {  	[tilespmem:s2], [sflag:$0x2] =	stream.indirect.gather @!p0 [hbm4b:s4+s3], $0x10, s1, s3, $0xb8;
	[tilespmem:$0x7400] =	vst v63  }
0xd8: {  	_ =	swait.ge [sflag:s29], $0x800  }
0xd9: {  	s13 =	rddreg [dreg:$0x9];
	[sflag:s29] =	ssyncset.done $0x0  }
0xda: {  	s2 =	simm.s32 @!p0 $0xB;
	[sflag:s29] =	ssyncadd.s32 $0xFFFFF800;
	s1 =	sadd.s32 s6, s13  }
0xdb: {  	[hbm4b:s1+s19] =	stream.strided.scatter [tilespmem:s21], [sflag:$0xE], $0x800, s20, s19, $0x38;
	[tilespmem:$0x7400] =	vst v63  }
0xdc: {  	_ =	swait.ge @!p0 [sflag:s2], $0x800  }
0xdd: {  	[sflag:s2] =	ssyncset.done @!p0 $0x0  }
0xde: {  	s1 =	sadd.s32 @!p0 $0x500, s0;
	[sflag:s2] =	ssyncadd.s32 @!p0 $0xFFFFF800;
	s2 =	simm.s32 @!p0 $0x4400  }
0xdf: {  	[tilespmem:s2], [sflag:$0x3] =	stream.indirect.gather @!p0 [hbm4b:s4+s3], $0x10, s1, s3, $0xb8;
	[tilespmem:$0x7400] =	vst v63  }
0xe0: {  	_ =	swait.ge [sflag:s30], $0x800  }
0xe1: {  	s15 =	rddreg [dreg:$0x8];
	[sflag:s30] =	ssyncset.done $0x0  }
0xe2: {  	[sflag:s30] =	ssyncadd.s32 $0xFFFFF800;
	s1 =	sadd.s32 s6, s15  }
0xe3: {  	[hbm4b:s1+s19] =	stream.strided.scatter [tilespmem:s23], [sflag:$0xF], $0x800, s20, s19, $0x38;
	[tilespmem:$0x7400] =	vst v63  }
0xe4: {  	s1 =	simm.s32 @!p0 $0xC  }
0xe5: {  	_ =	swait.ge @!p0 [sflag:s1], $0x800  }
0xe6: {  	[sflag:s1] =	ssyncset.done @!p0 $0x0  }
0xe7: {  	s0 =	sadd.s32 @!p0 $0x580, s0;
	[sflag:s1] =	ssyncadd.s32 @!p0 $0xFFFFF800;
	s1 =	simm.s32 @!p0 $0x4C00  }
0xe8: {  	[tilespmem:s1], [sflag:$0x4] =	stream.indirect.gather @!p0 [hbm4b:s4+s3], $0x10, s0, s3, $0xb8;
	[tilespmem:$0x7400] =	vst v63  }
0xe9: {  	_ =	swait.ge [sflag:s31], $0x800  }
0xea: {  	s2 =	rddreg [dreg:$0x7];
	[sflag:s31] =	ssyncset.done $0x0  }
0xeb: {  	s3 =	simm.s32 $0x9;
	s0 =	sadd.s32 s6, s2;
	[sflag:s31] =	ssyncadd.s32 $0xFFFFF800  }
0xec: {  	[hbm4b:s0+s19] =	stream.strided.scatter [tilespmem:s25], [sflag:$0x10], $0x800, s20, s19, $0x38;
	[tilespmem:$0x7400] =	vst v63  }
0xed: {  	_ =	swait.ge [sflag:s3], $0x800  }
0xee: {  	[sflag:s3] =	ssyncset.done $0x0  }
0xef: {  	s5 =	simm.s32 $0xA;
	[sflag:s3] =	ssyncadd.s32 $0xFFFFF800  }
0xf0: {  	_ =	swait.ge [sflag:s5], $0x800  }
0xf1: {  	[sflag:s5] =	ssyncset.done $0x0  }
0xf2: {  	s6 =	simm.s32 $0xB;
	[sflag:s5] =	ssyncadd.s32 $0xFFFFF800  }
0xf3: {  	_ =	swait.ge [sflag:s6], $0x800  }
0xf4: {  	[sflag:s6] =	ssyncset.done $0x0  }
0xf5: {  	s7 =	simm.s32 $0xC;
	[sflag:s6] =	ssyncadd.s32 $0xFFFFF800  }
0xf6: {  	_ =	swait.ge [sflag:s7], $0x800  }
0xf7: {  	[sflag:s7] =	ssyncset.done $0x0  }
0xf8: {  	s8 =	simm.s32 $0xD;
	[sflag:s7] =	ssyncadd.s32 $0xFFFFF800  }
0xf9: {  	_ =	swait.ge [sflag:s8], $0x800  }
0xfa: {  	[sflag:s8] =	ssyncset.done $0x0  }
0xfb: {  	s9 =	simm.s32 $0xE;
	[sflag:s8] =	ssyncadd.s32 $0xFFFFF800  }
0xfc: {  	_ =	swait.ge [sflag:s9], $0x800  }
0xfd: {  	[sflag:s9] =	ssyncset.done $0x0  }
0xfe: {  	s11 =	simm.s32 $0xF;
	[sflag:s9] =	ssyncadd.s32 $0xFFFFF800  }
0xff: {  	_ =	swait.ge [sflag:s11], $0x800  }
0x100: {  	[sflag:s11] =	ssyncset.done $0x0  }
0x101: {  	[sflag:s11] =	ssyncadd.s32 $0xFFFFF800  }
0x102: {  	_ =	swait.ge [sflag:s19], $0x800  }
0x103: {  	s13 =	rddreg [dreg:$0xd]  }
0x104: {  	s15 =	rddreg [dreg:$0xc];
	s1 =	sadd.s32 $0x1, s13  }
0x105: {  	p0 =	sne.s32 s1, s15  }
.Ltmp1:
0x106: {  	_ = 	snop;
	(pc) =	sbr.rel @p0 .LBB2_1-.Ltmp1, $3  }
0x107: {  	_ =	sdelay $0x1  }
0x108: {  	[sflag:s19] =	ssyncset.done $0x0  }
0x109: {  	[sflag:s19] =	ssyncadd.s32 $0xFFFFF800  }
0x10a: {  	_ =	sfence.sel $0x180000  }
0x10b: {  	[bflag:$0x0] =	sbarrier.arrive $0xFFFF  }
0x10c: {  	_ =	strace $0x90000047  }
0x10d: {  	s0 =	stileid.u32;
	[bflag:$0x2] =	sbarrier.arrive $0xFFFF  }
0x10e: {  	p0 =	sne.s32 s0, $0x0;
	s0 =	rddreg [dreg:$0x2]  }
0x10f: {  	s0 =	sadd.s32 @!p0 $0x100000, s0  }
0x110: {  	[sflag:s0] =	ssyncadd.tile.s32 @!p0 $0x1;
	_ =	shalt  }
.Lfunc_end2:
_tile_overlayer_lowered:
.L_overlay_start_2:
0x111: {  	(tag) =	ssettag $0x2  }
0x112: {  	s0 =	rddreg [dreg:$0x0];
	s2 =	stileid.u32  }
0x113: {  	s1 =	rddreg [dreg:$0x1];
	p0 =	sne.s32 s2, $0x0  }
0x114: {  	s3 =	rddreg [dreg:$0x2];
	[bflag:$0x3] =	sbarrier.arrive $0xFFFF;
	s2 =	simm.s32 @!p0 $0x1C11  }
0x115: {  	[timem:s3], [sflag:s2] =	dma.local @!p0 [hbm:s0], s1  }
0x116: {  	s0 =	simm.s32 @!p0 $0x11  }
0x117: {  	_ =	swait.ge @!p0 [sflag:s0], s1  }
0x118: {  	s1 =	ssub.s32 @!p0 $0x0, s1;
	[sflag:s0] =	ssyncset.done @!p0 $0x0  }
0x119: {  	[sflag:s0] =	ssyncadd.s32 @!p0 s1  }
0x11a: {  	[bflag:$0x3] =	sbarrier.arrive $0xFFFF  }
0x11b: {  	_ =	shalt  }

</sc_bundles>
